<compile_context>
chip_gen: v7x
topology: tpu7x:2x2x1
jax: 0.10.2.dev20260603
libtpu: 0.0.44.dev20260713+nightly
codegen_flags: <defaults>
</compile_context>

<pallas_src>
import functools

import jax
import jax.numpy as jnp
from jax import lax
from jax.experimental import pallas as pl
from jax.experimental.pallas import tpu as pltpu
from jax.experimental.pallas import tpu_sc as plsc

_L = 16
_NB = 4


def _build_sc_gather(B, N, C, M):
    info = plsc.get_sparse_core_info()
    NC, NS = info.num_cores, info.num_subcores
    NW = NC * NS
    assert NW == 2 * B, "mapping assumes 2 tiles per batch"
    HC = C // 2
    HM = M // 2
    NT = N // 128
    MT = M // 128
    R = B * C // 8

    mesh = plsc.VectorSubcoreMesh(core_axis_name="c", subcore_axis_name="s")

    @functools.partial(
        pl.kernel,
        mesh=mesh,
        compiler_params=pltpu.CompilerParams(needs_layout_passes=False),
        out_type=(
            jax.ShapeDtypeStruct((3, B // 8, MT, 8, 128), jnp.float32),
            jax.ShapeDtypeStruct((R, MT, 8, 128), jnp.float32),
            jax.ShapeDtypeStruct((B // 8, MT, 8, 128), jnp.int32),
        ),
        scratch_types=[
            pltpu.VMEM((MT, 128), jnp.int32)]
        + [pltpu.VMEM((MT // 2, 128), jnp.float32)
           for _ in range(3)]
        + [pltpu.VMEM((NT, 128), jnp.float32)
           for _ in range(_NB)]
        + [pltpu.VMEM((MT, 128), jnp.float32)
           for _ in range(_NB)]
        + [pltpu.SemaphoreType.DMA for _ in range(2 * _NB)],
    )
    def sc_gather(xyz_hbm, feat_hbm, inds_hbm, oxyz_hbm, ofeat_hbm,
                  oinds_hbm, *refs):
        idx_v = refs[0]
        xouts = refs[1:4]
        rows = refs[4:4 + _NB]
        fouts = refs[4 + _NB:4 + 2 * _NB]
        in_sems = refs[4 + 2 * _NB:4 + 3 * _NB]
        out_sems = refs[4 + 3 * _NB:4 + 4 * _NB]

        wid = lax.axis_index("s") * NC + lax.axis_index("c")
        b = wid // 2
        h = wid % 2
        bt, bs = b // 8, b % 8
        r_base = b * (C // 8) + h * (HC // 8)

        pltpu.sync_copy(inds_hbm.at[bt, :, bs, :], idx_v)

        @pl.when(h == 0)
        def _inds_out():
            pltpu.sync_copy(idx_v, oinds_hbm.at[bt, :, bs, :])

        def row_src(c):
            return feat_hbm.at[r_base + c // 8, :, c % 8, :]

        def out_dst(c):
            return ofeat_hbm.at[r_base + c // 8, :, c % 8, :]

        for d in range(3):
            pltpu.make_async_copy(xyz_hbm.at[d, bt, :, bs, :], rows[d],
                                  in_sems[d]).start()
        pltpu.make_async_copy(row_src(3), rows[3], in_sems[3]).start()
        for d in range(3):
            pltpu.make_async_copy(xyz_hbm.at[d, bt, :, bs, :], rows[d],
                                  in_sems[d]).wait()

        @plsc.parallel_loop(0, HM // _L, unroll=4)
        def xyz_block(j):
            idx16 = idx_v[h * (MT // 2) + j // 8, pl.ds((j % 8) * _L, _L)]
            hi = idx16 >> 7
            lo = idx16 & 127
            for d in range(3):
                vals = plsc.load_gather(rows[d], [hi, lo])
                xouts[d][j // 8, pl.ds((j % 8) * _L, _L)] = vals

        for d in range(3):
            pltpu.sync_copy(xouts[d],
                            oxyz_hbm.at[d, bt, pl.ds(h * (MT // 2), MT // 2),
                                        bs, :])

        for k in range(_NB - 1):
            pltpu.make_async_copy(row_src(k), rows[k], in_sems[k]).start()

        def chan_group(i, carry):
            for k in range(_NB):
                c = i * _NB + k
                pltpu.make_async_copy(row_src(0), rows[k],
                                      in_sems[k]).wait()

                @pl.when(i > 0)
                def _wait_out():
                    pltpu.make_async_copy(fouts[k], out_dst(0),
                                          out_sems[k]).wait()

                @plsc.parallel_loop(0, M // _L, unroll=16)
                def gather_block(j):
                    idx16 = idx_v[j // 8, pl.ds((j % 8) * _L, _L)]
                    vals = plsc.load_gather(rows[k], [idx16 >> 7, idx16 & 127])
                    fouts[k][j // 8, pl.ds((j % 8) * _L, _L)] = vals

                pltpu.make_async_copy(fouts[k], out_dst(c),
                                      out_sems[k]).start()

                @pl.when(c + _NB < HC)
                def _next_in():
                    pltpu.make_async_copy(row_src(c + _NB), rows[k],
                                          in_sems[k]).start()
            return carry

        lax.fori_loop(0, HC // _NB, chan_group, 0)
        for k in range(_NB):
            pltpu.make_async_copy(fouts[k], out_dst(0), out_sems[k]).wait()

    return sc_gather


def kernel(xyz, features, sample_inds):
    B, N, _ = xyz.shape
    _, C, _ = features.shape
    M = sample_inds.shape[1]
    sc_gather = _build_sc_gather(B, N, C, M)
    feat4 = features.reshape(B * C // 8, 8, N // 128, 128).transpose(0, 2, 1, 3)
    inds4 = (sample_inds.astype(jnp.int32)
             .reshape(B // 8, 8, M // 128, 128).transpose(0, 2, 1, 3))
    xyz5 = (xyz.transpose(2, 0, 1)
            .reshape(3, B // 8, 8, N // 128, 128).transpose(0, 1, 3, 2, 4))
    oxyz5, ofeat4, oinds4 = sc_gather(xyz5, feat4, inds4)
    new_xyz = (oxyz5.transpose(0, 1, 3, 2, 4)
               .reshape(3, B, M).transpose(1, 2, 0))
    new_features = ofeat4.transpose(0, 2, 1, 3).reshape(B, C, M)
    out_inds = (oinds4.transpose(0, 2, 1, 3).reshape(B, M)
                .astype(sample_inds.dtype))
    return (new_xyz, new_features, out_inds)

# --- scband reference (transcript-rebuilt; emitter-appended) ---
"""Pipeline reference for scband-general-sampling-module-36825049596139 (READ-ONLY COPY).

The authoritative reference and input builder live on the scoring server;
editing this copy changes nothing except your own understanding.
"""

import jax, jax.numpy as jnp
import numpy as np

B, N, C, M = 16, 16384, 256, 4096


def setup_inputs(seed: int = 0) -> dict:
    key = jax.random.key(seed)
    k1, k2, k3 = jax.random.split(key, 3)
    xyz = jax.random.normal(k1, (B, N, 3), dtype=jnp.float32)
    features = jax.random.normal(k2, (B, C, N), dtype=jnp.float32)
    sample_inds = jax.random.randint(k3, (B, M), 0, N, dtype=jnp.int64)
    return {"xyz": xyz, "features": features, "sample_inds": sample_inds}


def _gather_points(feats, inds):
    # feats: (B, C, N), inds: (B, M) -> (B, C, M)
    Bc, Cc, Nc = feats.shape
    Mc = inds.shape[1]
    idx = jnp.broadcast_to(inds[:, None, :], (Bc, Cc, Mc))
    return jnp.take_along_axis(feats, idx, axis=2)


def reference(xyz, features, sample_inds):
    # xyz: (B, N, 3), features: (B, C, N), sample_inds: (B, M)
    xyz_flipped = jnp.transpose(xyz, (0, 2, 1))  # (B, 3, N)
    new_xyz = jnp.transpose(_gather_points(xyz_flipped, sample_inds), (0, 2, 1))  # (B, M, 3)
    new_features = _gather_points(features, sample_inds)  # (B, C, M)
    return (new_xyz, new_features, sample_inds)

if __name__ == "__main__":
    import jax
    _d = setup_inputs()
    print(jax.jit(kernel)(*tuple(_d.values())))

</pallas_src>

<mosaic_0001>
#map = affine_map<(d0, d1) -> (0, 0, 0, 0, 0)>
#map1 = affine_map<(d0, d1) -> (0, 0, 0, 0)>
module attributes {stable_mosaic.version = 14 : i64} {
  func.func @sc_gather(%arg0: i32, %arg1: i32, %arg2: memref<3x2x128x8x128xf32, #tpu.memory_space<hbm>>, %arg3: memref<512x128x8x128xf32, #tpu.memory_space<hbm>>, %arg4: memref<2x32x8x128xi32, #tpu.memory_space<hbm>>, %arg5: memref<3x2x32x8x128xf32, #tpu.memory_space<hbm>>, %arg6: memref<512x32x8x128xf32, #tpu.memory_space<hbm>>, %arg7: memref<2x32x8x128xi32, #tpu.memory_space<hbm>>, %arg8: memref<32x128xi32, #tpu.memory_space<vmem>>, %arg9: memref<16x128xf32, #tpu.memory_space<vmem>>, %arg10: memref<16x128xf32, #tpu.memory_space<vmem>>, %arg11: memref<16x128xf32, #tpu.memory_space<vmem>>, %arg12: memref<128x128xf32, #tpu.memory_space<vmem>>, %arg13: memref<128x128xf32, #tpu.memory_space<vmem>>, %arg14: memref<128x128xf32, #tpu.memory_space<vmem>>, %arg15: memref<128x128xf32, #tpu.memory_space<vmem>>, %arg16: memref<32x128xf32, #tpu.memory_space<vmem>>, %arg17: memref<32x128xf32, #tpu.memory_space<vmem>>, %arg18: memref<32x128xf32, #tpu.memory_space<vmem>>, %arg19: memref<32x128xf32, #tpu.memory_space<vmem>>, %arg20: memref<!tpu.dma_semaphore, #tpu.memory_space<semaphore_mem>>, %arg21: memref<!tpu.dma_semaphore, #tpu.memory_space<semaphore_mem>>, %arg22: memref<!tpu.dma_semaphore, #tpu.memory_space<semaphore_mem>>, %arg23: memref<!tpu.dma_semaphore, #tpu.memory_space<semaphore_mem>>, %arg24: memref<!tpu.dma_semaphore, #tpu.memory_space<semaphore_mem>>, %arg25: memref<!tpu.dma_semaphore, #tpu.memory_space<semaphore_mem>>, %arg26: memref<!tpu.dma_semaphore, #tpu.memory_space<semaphore_mem>>, %arg27: memref<!tpu.dma_semaphore, #tpu.memory_space<semaphore_mem>>) attributes {dimension_semantics = [#tpu.dimension_semantics<core_parallel>, #tpu.dimension_semantics<subcore_parallel>], iteration_bounds = array<i64: 2, 16>, scalar_prefetch = 0 : i64, scratch_operands = 20 : i64, tpu.core_type = #tpu.core_type<sc_vector_subcore>, window_params = [{transform_indices = #map}, {transform_indices = #map1}, {transform_indices = #map1}, {transform_indices = #map}, {transform_indices = #map1}, {transform_indices = #map1}]} {
    %mul3A = arith.constant 2 : i32
    %mul3A_0 = arith.muli %arg1, %mul3A : i32
    %add3A = arith.addi %mul3A_0, %arg0 : i32
    %jit3A = arith.constant 2 : i32
    %div3A = arith.divsi %add3A, %jit3A : i32
    %sign3A = arith.constant 0 : i32
    %sign3A_1 = arith.cmpi sgt, %add3A, %sign3A : i32
    %sign3A_2 = arith.extui %sign3A_1 : i1 to i32
    %sign3A_3 = arith.constant 0 : i32
    %sign3A_4 = arith.cmpi slt, %add3A, %sign3A_3 : i32
    %sign3A_5 = arith.extui %sign3A_4 : i1 to i32
    %sign3A_6 = arith.subi %sign3A_2, %sign3A_5 : i32
    %sign3A_7 = arith.constant 0 : i32
    %sign3A_8 = arith.cmpi sgt, %jit3A, %sign3A_7 : i32
    %sign3A_9 = arith.extui %sign3A_8 : i1 to i32
    %sign3A_10 = arith.constant 0 : i32
    %sign3A_11 = arith.cmpi slt, %jit3A, %sign3A_10 : i32
    %sign3A_12 = arith.extui %sign3A_11 : i1 to i32
    %sign3A_13 = arith.subi %sign3A_9, %sign3A_12 : i32
    %ne3A = arith.cmpi ne, %sign3A_6, %sign3A_13 : i32
    %rem3A = arith.remsi %add3A, %jit3A : i32
    %ne3A_14 = arith.constant 0 : i32
    %ne3A_15 = arith.cmpi ne, %rem3A, %ne3A_14 : i32
    %and3A = arith.andi %ne3A, %ne3A_15 : i1
    %sub3A = arith.constant 1 : i32
    %sub3A_16 = arith.subi %div3A, %sub3A : i32
    %select_n3A = arith.select %and3A, %sub3A_16, %div3A : i32
    %jit3A_17 = arith.constant 2 : i32
    %eq3A = arith.constant 0 : i32
    %eq3A_18 = arith.cmpi eq, %jit3A_17, %eq3A : i32
    %jit3A_19 = arith.constant 1 : i32
    %select_n3A_20 = arith.select %eq3A_18, %jit3A_19, %jit3A_17 : i32
    %rem3A_21 = arith.remsi %add3A, %select_n3A_20 : i32
    %ne3A_22 = arith.constant 0 : i32
    %ne3A_23 = arith.cmpi ne, %rem3A_21, %ne3A_22 : i32
    %lt3A = arith.constant 0 : i32
    %lt3A_24 = arith.cmpi slt, %rem3A_21, %lt3A : i32
    %lt3A_25 = arith.constant 0 : i32
    %lt3A_26 = arith.cmpi slt, %select_n3A_20, %lt3A_25 : i32
    %ne3A_27 = arith.xori %lt3A_24, %lt3A_26 : i1
    %and3A_28 = arith.andi %ne3A_27, %ne3A_23 : i1
    %add3A_29 = arith.addi %rem3A_21, %select_n3A_20 : i32
    %select_n3A_30 = arith.select %and3A_28, %add3A_29, %rem3A_21 : i32
    %jit3A_31 = arith.constant 8 : i32
    %div3A_32 = arith.divsi %select_n3A, %jit3A_31 : i32
    %sign3A_33 = arith.constant 0 : i32
    %sign3A_34 = arith.cmpi sgt, %select_n3A, %sign3A_33 : i32
    %sign3A_35 = arith.extui %sign3A_34 : i1 to i32
    %sign3A_36 = arith.constant 0 : i32
    %sign3A_37 = arith.cmpi slt, %select_n3A, %sign3A_36 : i32
    %sign3A_38 = arith.extui %sign3A_37 : i1 to i32
    %sign3A_39 = arith.subi %sign3A_35, %sign3A_38 : i32
    %sign3A_40 = arith.constant 0 : i32
    %sign3A_41 = arith.cmpi sgt, %jit3A_31, %sign3A_40 : i32
    %sign3A_42 = arith.extui %sign3A_41 : i1 to i32
    %sign3A_43 = arith.constant 0 : i32
    %sign3A_44 = arith.cmpi slt, %jit3A_31, %sign3A_43 : i32
    %sign3A_45 = arith.extui %sign3A_44 : i1 to i32
    %sign3A_46 = arith.subi %sign3A_42, %sign3A_45 : i32
    %ne3A_47 = arith.cmpi ne, %sign3A_39, %sign3A_46 : i32
    %rem3A_48 = arith.remsi %select_n3A, %jit3A_31 : i32
    %ne3A_49 = arith.constant 0 : i32
    %ne3A_50 = arith.cmpi ne, %rem3A_48, %ne3A_49 : i32
    %and3A_51 = arith.andi %ne3A_47, %ne3A_50 : i1
    %sub3A_52 = arith.constant 1 : i32
    %sub3A_53 = arith.subi %div3A_32, %sub3A_52 : i32
    %select_n3A_54 = arith.select %and3A_51, %sub3A_53, %div3A_32 : i32
    %jit3A_55 = arith.constant 8 : i32
    %eq3A_56 = arith.constant 0 : i32
    %eq3A_57 = arith.cmpi eq, %jit3A_55, %eq3A_56 : i32
    %jit3A_58 = arith.constant 1 : i32
    %select_n3A_59 = arith.select %eq3A_57, %jit3A_58, %jit3A_55 : i32
    %rem3A_60 = arith.remsi %select_n3A, %select_n3A_59 : i32
    %ne3A_61 = arith.constant 0 : i32
    %ne3A_62 = arith.cmpi ne, %rem3A_60, %ne3A_61 : i32
    %lt3A_63 = arith.constant 0 : i32
    %lt3A_64 = arith.cmpi slt, %rem3A_60, %lt3A_63 : i32
    %lt3A_65 = arith.constant 0 : i32
    %lt3A_66 = arith.cmpi slt, %select_n3A_59, %lt3A_65 : i32
    %ne3A_67 = arith.xori %lt3A_64, %lt3A_66 : i1
    %and3A_68 = arith.andi %ne3A_67, %ne3A_62 : i1
    %add3A_69 = arith.addi %rem3A_60, %select_n3A_59 : i32
    %select_n3A_70 = arith.select %and3A_68, %add3A_69, %rem3A_60 : i32
    %mul3A_71 = arith.constant 32 : i32
    %mul3A_72 = arith.muli %select_n3A, %mul3A_71 : i32
    %mul3A_73 = arith.constant 16 : i32
    %mul3A_74 = arith.muli %select_n3A_30, %mul3A_73 : i32
    %add3A_75 = arith.addi %mul3A_72, %mul3A_74 : i32
    "tpu.region"() ({
      %run_scoped3A_234 = tpu.sem_alloc : memref<!tpu.dma_semaphore, #tpu.memory_space<semaphore_mem>>
      %dma_start3A_235 = arith.constant 0 : i32
      %dma_start3A_236 = arith.constant 0 : i32
      %dma_start3A_237 = tpu.memref_slice %arg4[%select_n3A_54, %dma_start3A_235, %select_n3A_70, %dma_start3A_236] : memref<2x32x8x128xi32, #tpu.memory_space<hbm>> -> memref<1x32x1x128xi32, #tpu.memory_space<hbm>>
      %dma_start3A_238 = tpu.memref_squeeze %dma_start3A_237 : memref<1x32x1x128xi32, #tpu.memory_space<hbm>> -> memref<32x128xi32, #tpu.memory_space<hbm>>
      %dma_start3A_239 = arith.constant 0 : i32
      %dma_start3A_240 = arith.constant 0 : i32
      %dma_start3A_241 = tpu.memref_slice %arg4[%select_n3A_54, %dma_start3A_239, %select_n3A_70, %dma_start3A_240] : memref<2x32x8x128xi32, #tpu.memory_space<hbm>> -> memref<1x32x1x128xi32, #tpu.memory_space<hbm>>
      %dma_start3A_242 = tpu.memref_squeeze %dma_start3A_241 : memref<1x32x1x128xi32, #tpu.memory_space<hbm>> -> memref<32x128xi32, #tpu.memory_space<hbm>>
      tpu.enqueue_dma source(%dma_start3A_242 : memref<32x128xi32, #tpu.memory_space<hbm>>) target(%arg8 : memref<32x128xi32, #tpu.memory_space<vmem>>) target_semaphore(%run_scoped3A_234 : memref<!tpu.dma_semaphore, #tpu.memory_space<semaphore_mem>>)
      %dma_wait3A_243 = arith.constant 0 : i32
      %dma_wait3A_244 = arith.constant 0 : i32
      %dma_wait3A_245 = tpu.memref_slice %arg4[%select_n3A_54, %dma_wait3A_243, %select_n3A_70, %dma_wait3A_244] : memref<2x32x8x128xi32, #tpu.memory_space<hbm>> -> memref<1x32x1x128xi32, #tpu.memory_space<hbm>>
      %dma_wait3A_246 = tpu.memref_squeeze %dma_wait3A_245 : memref<1x32x1x128xi32, #tpu.memory_space<hbm>> -> memref<32x128xi32, #tpu.memory_space<hbm>>
      %dma_wait3A_247 = arith.constant 0 : i32
      %dma_wait3A_248 = arith.constant 0 : i32
      %dma_wait3A_249 = tpu.memref_slice %arg4[%select_n3A_54, %dma_wait3A_247, %select_n3A_70, %dma_wait3A_248] : memref<2x32x8x128xi32, #tpu.memory_space<hbm>> -> memref<1x32x1x128xi32, #tpu.memory_space<hbm>>
      %dma_wait3A_250 = tpu.memref_squeeze %dma_wait3A_249 : memref<1x32x1x128xi32, #tpu.memory_space<hbm>> -> memref<32x128xi32, #tpu.memory_space<hbm>>
      tpu.wait_dma2 semaphore(%run_scoped3A_234 : memref<!tpu.dma_semaphore, #tpu.memory_space<semaphore_mem>>) src(%dma_wait3A_250 : memref<32x128xi32, #tpu.memory_space<hbm>>) dst(%arg8 : memref<32x128xi32, #tpu.memory_space<vmem>>)
      tpu.yield
    }) : () -> ()
    %eq3A_76 = arith.constant 0 : i32
    %eq3A_77 = arith.cmpi eq, %select_n3A_30, %eq3A_76 : i32
    %convert_element_type3A = arith.extui %eq3A_77 : i1 to i32
    %cond3A = arith.constant 0 : i32
    %cond3A_78 = arith.cmpi ne, %convert_element_type3A, %cond3A : i32
    scf.if %cond3A_78 {
      "tpu.region"() ({
        %run_scoped3A_234 = tpu.sem_alloc : memref<!tpu.dma_semaphore, #tpu.memory_space<semaphore_mem>>
        %dma_start3A_235 = arith.constant 0 : i32
        %dma_start3A_236 = arith.constant 0 : i32
        %dma_start3A_237 = tpu.memref_slice %arg7[%select_n3A_54, %dma_start3A_235, %select_n3A_70, %dma_start3A_236] : memref<2x32x8x128xi32, #tpu.memory_space<hbm>> -> memref<1x32x1x128xi32, #tpu.memory_space<hbm>>
        %dma_start3A_238 = tpu.memref_squeeze %dma_start3A_237 : memref<1x32x1x128xi32, #tpu.memory_space<hbm>> -> memref<32x128xi32, #tpu.memory_space<hbm>>
        %dma_start3A_239 = arith.constant 0 : i32
        %dma_start3A_240 = arith.constant 0 : i32
        %dma_start3A_241 = tpu.memref_slice %arg7[%select_n3A_54, %dma_start3A_239, %select_n3A_70, %dma_start3A_240] : memref<2x32x8x128xi32, #tpu.memory_space<hbm>> -> memref<1x32x1x128xi32, #tpu.memory_space<hbm>>
        %dma_start3A_242 = tpu.memref_squeeze %dma_start3A_241 : memref<1x32x1x128xi32, #tpu.memory_space<hbm>> -> memref<32x128xi32, #tpu.memory_space<hbm>>
        tpu.enqueue_dma source(%arg8 : memref<32x128xi32, #tpu.memory_space<vmem>>) target(%dma_start3A_242 : memref<32x128xi32, #tpu.memory_space<hbm>>) target_semaphore(%run_scoped3A_234 : memref<!tpu.dma_semaphore, #tpu.memory_space<semaphore_mem>>)
        %dma_wait3A_243 = arith.constant 0 : i32
        %dma_wait3A_244 = arith.constant 0 : i32
        %dma_wait3A_245 = tpu.memref_slice %arg7[%select_n3A_54, %dma_wait3A_243, %select_n3A_70, %dma_wait3A_244] : memref<2x32x8x128xi32, #tpu.memory_space<hbm>> -> memref<1x32x1x128xi32, #tpu.memory_space<hbm>>
        %dma_wait3A_246 = tpu.memref_squeeze %dma_wait3A_245 : memref<1x32x1x128xi32, #tpu.memory_space<hbm>> -> memref<32x128xi32, #tpu.memory_space<hbm>>
        %dma_wait3A_247 = arith.constant 0 : i32
        %dma_wait3A_248 = arith.constant 0 : i32
        %dma_wait3A_249 = tpu.memref_slice %arg7[%select_n3A_54, %dma_wait3A_247, %select_n3A_70, %dma_wait3A_248] : memref<2x32x8x128xi32, #tpu.memory_space<hbm>> -> memref<1x32x1x128xi32, #tpu.memory_space<hbm>>
        %dma_wait3A_250 = tpu.memref_squeeze %dma_wait3A_249 : memref<1x32x1x128xi32, #tpu.memory_space<hbm>> -> memref<32x128xi32, #tpu.memory_space<hbm>>
        tpu.wait_dma2 semaphore(%run_scoped3A_234 : memref<!tpu.dma_semaphore, #tpu.memory_space<semaphore_mem>>) src(%arg8 : memref<32x128xi32, #tpu.memory_space<vmem>>) dst(%dma_wait3A_250 : memref<32x128xi32, #tpu.memory_space<hbm>>)
        tpu.yield
      }) : () -> ()
    } else {
    }
    %dma_start3A = arith.constant 0 : i32
    %dma_start3A_79 = arith.constant 0 : i32
    %dma_start3A_80 = arith.constant 0 : i32
    %dma_start3A_81 = tpu.memref_slice %arg2[%dma_start3A, %select_n3A_54, %dma_start3A_79, %select_n3A_70, %dma_start3A_80] : memref<3x2x128x8x128xf32, #tpu.memory_space<hbm>> -> memref<1x1x128x1x128xf32, #tpu.memory_space<hbm>>
    %dma_start3A_82 = tpu.memref_squeeze %dma_start3A_81 : memref<1x1x128x1x128xf32, #tpu.memory_space<hbm>> -> memref<128x128xf32, #tpu.memory_space<hbm>>
    %dma_start3A_83 = arith.constant 0 : i32
    %dma_start3A_84 = arith.constant 0 : i32
    %dma_start3A_85 = tpu.memref_slice %arg2[%dma_start3A, %select_n3A_54, %dma_start3A_83, %select_n3A_70, %dma_start3A_84] : memref<3x2x128x8x128xf32, #tpu.memory_space<hbm>> -> memref<1x1x128x1x128xf32, #tpu.memory_space<hbm>>
    %dma_start3A_86 = tpu.memref_squeeze %dma_start3A_85 : memref<1x1x128x1x128xf32, #tpu.memory_space<hbm>> -> memref<128x128xf32, #tpu.memory_space<hbm>>
    tpu.enqueue_dma source(%dma_start3A_86 : memref<128x128xf32, #tpu.memory_space<hbm>>) target(%arg12 : memref<128x128xf32, #tpu.memory_space<vmem>>) target_semaphore(%arg20 : memref<!tpu.dma_semaphore, #tpu.memory_space<semaphore_mem>>)
    %dma_start3A_87 = arith.constant 1 : i32
    %dma_start3A_88 = arith.constant 0 : i32
    %dma_start3A_89 = arith.constant 0 : i32
    %dma_start3A_90 = tpu.memref_slice %arg2[%dma_start3A_87, %select_n3A_54, %dma_start3A_88, %select_n3A_70, %dma_start3A_89] : memref<3x2x128x8x128xf32, #tpu.memory_space<hbm>> -> memref<1x1x128x1x128xf32, #tpu.memory_space<hbm>>
    %dma_start3A_91 = tpu.memref_squeeze %dma_start3A_90 : memref<1x1x128x1x128xf32, #tpu.memory_space<hbm>> -> memref<128x128xf32, #tpu.memory_space<hbm>>
    %dma_start3A_92 = arith.constant 0 : i32
    %dma_start3A_93 = arith.constant 0 : i32
    %dma_start3A_94 = tpu.memref_slice %arg2[%dma_start3A_87, %select_n3A_54, %dma_start3A_92, %select_n3A_70, %dma_start3A_93] : memref<3x2x128x8x128xf32, #tpu.memory_space<hbm>> -> memref<1x1x128x1x128xf32, #tpu.memory_space<hbm>>
    %dma_start3A_95 = tpu.memref_squeeze %dma_start3A_94 : memref<1x1x128x1x128xf32, #tpu.memory_space<hbm>> -> memref<128x128xf32, #tpu.memory_space<hbm>>
    tpu.enqueue_dma source(%dma_start3A_95 : memref<128x128xf32, #tpu.memory_space<hbm>>) target(%arg13 : memref<128x128xf32, #tpu.memory_space<vmem>>) target_semaphore(%arg21 : memref<!tpu.dma_semaphore, #tpu.memory_space<semaphore_mem>>)
    %dma_start3A_96 = arith.constant 2 : i32
    %dma_start3A_97 = arith.constant 0 : i32
    %dma_start3A_98 = arith.constant 0 : i32
    %dma_start3A_99 = tpu.memref_slice %arg2[%dma_start3A_96, %select_n3A_54, %dma_start3A_97, %select_n3A_70, %dma_start3A_98] : memref<3x2x128x8x128xf32, #tpu.memory_space<hbm>> -> memref<1x1x128x1x128xf32, #tpu.memory_space<hbm>>
    %dma_start3A_100 = tpu.memref_squeeze %dma_start3A_99 : memref<1x1x128x1x128xf32, #tpu.memory_space<hbm>> -> memref<128x128xf32, #tpu.memory_space<hbm>>
    %dma_start3A_101 = arith.constant 0 : i32
    %dma_start3A_102 = arith.constant 0 : i32
    %dma_start3A_103 = tpu.memref_slice %arg2[%dma_start3A_96, %select_n3A_54, %dma_start3A_101, %select_n3A_70, %dma_start3A_102] : memref<3x2x128x8x128xf32, #tpu.memory_space<hbm>> -> memref<1x1x128x1x128xf32, #tpu.memory_space<hbm>>
    %dma_start3A_104 = tpu.memref_squeeze %dma_start3A_103 : memref<1x1x128x1x128xf32, #tpu.memory_space<hbm>> -> memref<128x128xf32, #tpu.memory_space<hbm>>
    tpu.enqueue_dma source(%dma_start3A_104 : memref<128x128xf32, #tpu.memory_space<hbm>>) target(%arg14 : memref<128x128xf32, #tpu.memory_space<vmem>>) target_semaphore(%arg22 : memref<!tpu.dma_semaphore, #tpu.memory_space<semaphore_mem>>)
    %add3A_105 = arith.constant 0 : i32
    %add3A_106 = arith.addi %add3A_75, %add3A_105 : i32
    %dma_start3A_107 = arith.constant 3 : i32
    %dma_start3A_108 = arith.constant 0 : i32
    %dma_start3A_109 = arith.constant 0 : i32
    %dma_start3A_110 = tpu.memref_slice %arg3[%add3A_106, %dma_start3A_108, %dma_start3A_107, %dma_start3A_109] : memref<512x128x8x128xf32, #tpu.memory_space<hbm>> -> memref<1x128x1x128xf32, #tpu.memory_space<hbm>>
    %dma_start3A_111 = tpu.memref_squeeze %dma_start3A_110 : memref<1x128x1x128xf32, #tpu.memory_space<hbm>> -> memref<128x128xf32, #tpu.memory_space<hbm>>
    %dma_start3A_112 = arith.constant 0 : i32
    %dma_start3A_113 = arith.constant 0 : i32
    %dma_start3A_114 = tpu.memref_slice %arg3[%add3A_106, %dma_start3A_112, %dma_start3A_107, %dma_start3A_113] : memref<512x128x8x128xf32, #tpu.memory_space<hbm>> -> memref<1x128x1x128xf32, #tpu.memory_space<hbm>>
    %dma_start3A_115 = tpu.memref_squeeze %dma_start3A_114 : memref<1x128x1x128xf32, #tpu.memory_space<hbm>> -> memref<128x128xf32, #tpu.memory_space<hbm>>
    tpu.enqueue_dma source(%dma_start3A_115 : memref<128x128xf32, #tpu.memory_space<hbm>>) target(%arg15 : memref<128x128xf32, #tpu.memory_space<vmem>>) target_semaphore(%arg23 : memref<!tpu.dma_semaphore, #tpu.memory_space<semaphore_mem>>)
    %dma_wait3A = arith.constant 0 : i32
    %dma_wait3A_116 = arith.constant 0 : i32
    %dma_wait3A_117 = arith.constant 0 : i32
    %dma_wait3A_118 = tpu.memref_slice %arg2[%dma_wait3A, %select_n3A_54, %dma_wait3A_116, %select_n3A_70, %dma_wait3A_117] : memref<3x2x128x8x128xf32, #tpu.memory_space<hbm>> -> memref<1x1x128x1x128xf32, #tpu.memory_space<hbm>>
    %dma_wait3A_119 = tpu.memref_squeeze %dma_wait3A_118 : memref<1x1x128x1x128xf32, #tpu.memory_space<hbm>> -> memref<128x128xf32, #tpu.memory_space<hbm>>
    %dma_wait3A_120 = arith.constant 0 : i32
    %dma_wait3A_121 = arith.constant 0 : i32
    %dma_wait3A_122 = tpu.memref_slice %arg2[%dma_wait3A, %select_n3A_54, %dma_wait3A_120, %select_n3A_70, %dma_wait3A_121] : memref<3x2x128x8x128xf32, #tpu.memory_space<hbm>> -> memref<1x1x128x1x128xf32, #tpu.memory_space<hbm>>
    %dma_wait3A_123 = tpu.memref_squeeze %dma_wait3A_122 : memref<1x1x128x1x128xf32, #tpu.memory_space<hbm>> -> memref<128x128xf32, #tpu.memory_space<hbm>>
    tpu.wait_dma2 semaphore(%arg20 : memref<!tpu.dma_semaphore, #tpu.memory_space<semaphore_mem>>) src(%dma_wait3A_123 : memref<128x128xf32, #tpu.memory_space<hbm>>) dst(%arg12 : memref<128x128xf32, #tpu.memory_space<vmem>>)
    %dma_wait3A_124 = arith.constant 1 : i32
    %dma_wait3A_125 = arith.constant 0 : i32
    %dma_wait3A_126 = arith.constant 0 : i32
    %dma_wait3A_127 = tpu.memref_slice %arg2[%dma_wait3A_124, %select_n3A_54, %dma_wait3A_125, %select_n3A_70, %dma_wait3A_126] : memref<3x2x128x8x128xf32, #tpu.memory_space<hbm>> -> memref<1x1x128x1x128xf32, #tpu.memory_space<hbm>>
    %dma_wait3A_128 = tpu.memref_squeeze %dma_wait3A_127 : memref<1x1x128x1x128xf32, #tpu.memory_space<hbm>> -> memref<128x128xf32, #tpu.memory_space<hbm>>
    %dma_wait3A_129 = arith.constant 0 : i32
    %dma_wait3A_130 = arith.constant 0 : i32
    %dma_wait3A_131 = tpu.memref_slice %arg2[%dma_wait3A_124, %select_n3A_54, %dma_wait3A_129, %select_n3A_70, %dma_wait3A_130] : memref<3x2x128x8x128xf32, #tpu.memory_space<hbm>> -> memref<1x1x128x1x128xf32, #tpu.memory_space<hbm>>
    %dma_wait3A_132 = tpu.memref_squeeze %dma_wait3A_131 : memref<1x1x128x1x128xf32, #tpu.memory_space<hbm>> -> memref<128x128xf32, #tpu.memory_space<hbm>>
    tpu.wait_dma2 semaphore(%arg21 : memref<!tpu.dma_semaphore, #tpu.memory_space<semaphore_mem>>) src(%dma_wait3A_132 : memref<128x128xf32, #tpu.memory_space<hbm>>) dst(%arg13 : memref<128x128xf32, #tpu.memory_space<vmem>>)
    %dma_wait3A_133 = arith.constant 2 : i32
    %dma_wait3A_134 = arith.constant 0 : i32
    %dma_wait3A_135 = arith.constant 0 : i32
    %dma_wait3A_136 = tpu.memref_slice %arg2[%dma_wait3A_133, %select_n3A_54, %dma_wait3A_134, %select_n3A_70, %dma_wait3A_135] : memref<3x2x128x8x128xf32, #tpu.memory_space<hbm>> -> memref<1x1x128x1x128xf32, #tpu.memory_space<hbm>>
    %dma_wait3A_137 = tpu.memref_squeeze %dma_wait3A_136 : memref<1x1x128x1x128xf32, #tpu.memory_space<hbm>> -> memref<128x128xf32, #tpu.memory_space<hbm>>
    %dma_wait3A_138 = arith.constant 0 : i32
    %dma_wait3A_139 = arith.constant 0 : i32
    %dma_wait3A_140 = tpu.memref_slice %arg2[%dma_wait3A_133, %select_n3A_54, %dma_wait3A_138, %select_n3A_70, %dma_wait3A_139] : memref<3x2x128x8x128xf32, #tpu.memory_space<hbm>> -> memref<1x1x128x1x128xf32, #tpu.memory_space<hbm>>
    %dma_wait3A_141 = tpu.memref_squeeze %dma_wait3A_140 : memref<1x1x128x1x128xf32, #tpu.memory_space<hbm>> -> memref<128x128xf32, #tpu.memory_space<hbm>>
    tpu.wait_dma2 semaphore(%arg22 : memref<!tpu.dma_semaphore, #tpu.memory_space<semaphore_mem>>) src(%dma_wait3A_141 : memref<128x128xf32, #tpu.memory_space<hbm>>) dst(%arg14 : memref<128x128xf32, #tpu.memory_space<vmem>>)
    %parallel_loop3A = arith.constant 0 : i32
    %parallel_loop3A_142 = arith.constant 128 : i32
    %parallel_loop3A_143 = arith.constant 1 : i32
    scf.for %parallel_loop3A_234 = %parallel_loop3A to %parallel_loop3A_142 step %parallel_loop3A_143  : i32 {
      %parallel_loop3A_235 = arith.constant 16 : i32
      %parallel_loop3A_236 = arith.muli %select_n3A_30, %parallel_loop3A_235 : i32
      %parallel_loop3A_237 = arith.constant 8 : i32
      %parallel_loop3A_238 = arith.divsi %parallel_loop3A_234, %parallel_loop3A_237 : i32
      %parallel_loop3A_239 = arith.constant 0 : i32
      %parallel_loop3A_240 = arith.cmpi sgt, %parallel_loop3A_234, %parallel_loop3A_239 : i32
      %parallel_loop3A_241 = arith.extui %parallel_loop3A_240 : i1 to i32
      %parallel_loop3A_242 = arith.constant 0 : i32
      %parallel_loop3A_243 = arith.cmpi slt, %parallel_loop3A_234, %parallel_loop3A_242 : i32
      %parallel_loop3A_244 = arith.extui %parallel_loop3A_243 : i1 to i32
      %parallel_loop3A_245 = arith.subi %parallel_loop3A_241, %parallel_loop3A_244 : i32
      %parallel_loop3A_246 = arith.constant 0 : i32
      %parallel_loop3A_247 = arith.cmpi sgt, %parallel_loop3A_237, %parallel_loop3A_246 : i32
      %parallel_loop3A_248 = arith.extui %parallel_loop3A_247 : i1 to i32
      %parallel_loop3A_249 = arith.constant 0 : i32
      %parallel_loop3A_250 = arith.cmpi slt, %parallel_loop3A_237, %parallel_loop3A_249 : i32
      %parallel_loop3A_251 = arith.extui %parallel_loop3A_250 : i1 to i32
      %parallel_loop3A_252 = arith.subi %parallel_loop3A_248, %parallel_loop3A_251 : i32
      %parallel_loop3A_253 = arith.cmpi ne, %parallel_loop3A_245, %parallel_loop3A_252 : i32
      %parallel_loop3A_254 = arith.remsi %parallel_loop3A_234, %parallel_loop3A_237 : i32
      %parallel_loop3A_255 = arith.constant 0 : i32
      %parallel_loop3A_256 = arith.cmpi ne, %parallel_loop3A_254, %parallel_loop3A_255 : i32
      %parallel_loop3A_257 = arith.andi %parallel_loop3A_253, %parallel_loop3A_256 : i1
      %parallel_loop3A_258 = arith.constant 1 : i32
      %parallel_loop3A_259 = arith.subi %parallel_loop3A_238, %parallel_loop3A_258 : i32
      %parallel_loop3A_260 = arith.select %parallel_loop3A_257, %parallel_loop3A_259, %parallel_loop3A_238 : i32
      %parallel_loop3A_261 = arith.addi %parallel_loop3A_236, %parallel_loop3A_260 : i32
      %parallel_loop3A_262 = arith.constant 8 : i32
      %parallel_loop3A_263 = arith.constant 0 : i32
      %parallel_loop3A_264 = arith.cmpi eq, %parallel_loop3A_262, %parallel_loop3A_263 : i32
      %parallel_loop3A_265 = arith.constant 1 : i32
      %parallel_loop3A_266 = arith.select %parallel_loop3A_264, %parallel_loop3A_265, %parallel_loop3A_262 : i32
      %parallel_loop3A_267 = arith.remsi %parallel_loop3A_234, %parallel_loop3A_266 : i32
      %parallel_loop3A_268 = arith.constant 0 : i32
      %parallel_loop3A_269 = arith.cmpi ne, %parallel_loop3A_267, %parallel_loop3A_268 : i32
      %parallel_loop3A_270 = arith.constant 0 : i32
      %parallel_loop3A_271 = arith.cmpi slt, %parallel_loop3A_267, %parallel_loop3A_270 : i32
      %parallel_loop3A_272 = arith.constant 0 : i32
      %parallel_loop3A_273 = arith.cmpi slt, %parallel_loop3A_266, %parallel_loop3A_272 : i32
      %parallel_loop3A_274 = arith.xori %parallel_loop3A_271, %parallel_loop3A_273 : i1
      %parallel_loop3A_275 = arith.andi %parallel_loop3A_274, %parallel_loop3A_269 : i1
      %parallel_loop3A_276 = arith.addi %parallel_loop3A_267, %parallel_loop3A_266 : i32
      %parallel_loop3A_277 = arith.select %parallel_loop3A_275, %parallel_loop3A_276, %parallel_loop3A_267 : i32
      %parallel_loop3A_278 = arith.constant 16 : i32
      %parallel_loop3A_279 = arith.muli %parallel_loop3A_277, %parallel_loop3A_278 : i32
      %parallel_loop3A_280 = arith.index_cast %parallel_loop3A_261 : i32 to index
      %parallel_loop3A_281 = arith.index_cast %parallel_loop3A_279 : i32 to index
      %parallel_loop3A_282 = tpu.vector_load %arg8[%parallel_loop3A_280, %parallel_loop3A_281] {strides = array<i32>} : memref<32x128xi32, #tpu.memory_space<vmem>>, vector<16xi32>,
      %parallel_loop3A_283 = arith.constant 7 : i32
      %parallel_loop3A_284 = vector.broadcast %parallel_loop3A_283 : i32 to vector<16xi32>
      %parallel_loop3A_285 = arith.shrsi %parallel_loop3A_282, %parallel_loop3A_284 : vector<16xi32>
      %parallel_loop3A_286 = arith.constant 127 : i32
      %parallel_loop3A_287 = vector.broadcast %parallel_loop3A_286 : i32 to vector<16xi32>
      %parallel_loop3A_288 = arith.andi %parallel_loop3A_282, %parallel_loop3A_287 : vector<16xi32>
      %parallel_loop3A_289 = tpu.vector_load_idx %arg12[%parallel_loop3A_285, %parallel_loop3A_288] : memref<128x128xf32, #tpu.memory_space<vmem>>[vector<16xi32>, vector<16xi32>], vector<16xf32>,
      %parallel_loop3A_290 = arith.constant 8 : i32
      %parallel_loop3A_291 = arith.divsi %parallel_loop3A_234, %parallel_loop3A_290 : i32
      %parallel_loop3A_292 = arith.constant 0 : i32
      %parallel_loop3A_293 = arith.cmpi sgt, %parallel_loop3A_234, %parallel_loop3A_292 : i32
      %parallel_loop3A_294 = arith.extui %parallel_loop3A_293 : i1 to i32
      %parallel_loop3A_295 = arith.constant 0 : i32
      %parallel_loop3A_296 = arith.cmpi slt, %parallel_loop3A_234, %parallel_loop3A_295 : i32
      %parallel_loop3A_297 = arith.extui %parallel_loop3A_296 : i1 to i32
      %parallel_loop3A_298 = arith.subi %parallel_loop3A_294, %parallel_loop3A_297 : i32
      %parallel_loop3A_299 = arith.constant 0 : i32
      %parallel_loop3A_300 = arith.cmpi sgt, %parallel_loop3A_290, %parallel_loop3A_299 : i32
      %parallel_loop3A_301 = arith.extui %parallel_loop3A_300 : i1 to i32
      %parallel_loop3A_302 = arith.constant 0 : i32
      %parallel_loop3A_303 = arith.cmpi slt, %parallel_loop3A_290, %parallel_loop3A_302 : i32
      %parallel_loop3A_304 = arith.extui %parallel_loop3A_303 : i1 to i32
      %parallel_loop3A_305 = arith.subi %parallel_loop3A_301, %parallel_loop3A_304 : i32
      %parallel_loop3A_306 = arith.cmpi ne, %parallel_loop3A_298, %parallel_loop3A_305 : i32
      %parallel_loop3A_307 = arith.remsi %parallel_loop3A_234, %parallel_loop3A_290 : i32
      %parallel_loop3A_308 = arith.constant 0 : i32
      %parallel_loop3A_309 = arith.cmpi ne, %parallel_loop3A_307, %parallel_loop3A_308 : i32
      %parallel_loop3A_310 = arith.andi %parallel_loop3A_306, %parallel_loop3A_309 : i1
      %parallel_loop3A_311 = arith.constant 1 : i32
      %parallel_loop3A_312 = arith.subi %parallel_loop3A_291, %parallel_loop3A_311 : i32
      %parallel_loop3A_313 = arith.select %parallel_loop3A_310, %parallel_loop3A_312, %parallel_loop3A_291 : i32
      %parallel_loop3A_314 = arith.constant 8 : i32
      %parallel_loop3A_315 = arith.constant 0 : i32
      %parallel_loop3A_316 = arith.cmpi eq, %parallel_loop3A_314, %parallel_loop3A_315 : i32
      %parallel_loop3A_317 = arith.constant 1 : i32
      %parallel_loop3A_318 = arith.select %parallel_loop3A_316, %parallel_loop3A_317, %parallel_loop3A_314 : i32
      %parallel_loop3A_319 = arith.remsi %parallel_loop3A_234, %parallel_loop3A_318 : i32
      %parallel_loop3A_320 = arith.constant 0 : i32
      %parallel_loop3A_321 = arith.cmpi ne, %parallel_loop3A_319, %parallel_loop3A_320 : i32
      %parallel_loop3A_322 = arith.constant 0 : i32
      %parallel_loop3A_323 = arith.cmpi slt, %parallel_loop3A_319, %parallel_loop3A_322 : i32
      %parallel_loop3A_324 = arith.constant 0 : i32
      %parallel_loop3A_325 = arith.cmpi slt, %parallel_loop3A_318, %parallel_loop3A_324 : i32
      %parallel_loop3A_326 = arith.xori %parallel_loop3A_323, %parallel_loop3A_325 : i1
      %parallel_loop3A_327 = arith.andi %parallel_loop3A_326, %parallel_loop3A_321 : i1
      %parallel_loop3A_328 = arith.addi %parallel_loop3A_319, %parallel_loop3A_318 : i32
      %parallel_loop3A_329 = arith.select %parallel_loop3A_327, %parallel_loop3A_328, %parallel_loop3A_319 : i32
      %parallel_loop3A_330 = arith.constant 16 : i32
      %parallel_loop3A_331 = arith.muli %parallel_loop3A_329, %parallel_loop3A_330 : i32
      %parallel_loop3A_332 = arith.index_cast %parallel_loop3A_313 : i32 to index
      %parallel_loop3A_333 = arith.index_cast %parallel_loop3A_331 : i32 to index
      %parallel_loop3A_334 = tpu.vector_load %arg9[%parallel_loop3A_332, %parallel_loop3A_333] {strides = array<i32>} : memref<16x128xf32, #tpu.memory_space<vmem>>, vector<16xf32>,
      tpu.vector_store %arg9[%parallel_loop3A_332, %parallel_loop3A_333], %parallel_loop3A_289 {strides = array<i32>} : memref<16x128xf32, #tpu.memory_space<vmem>>, vector<16xf32>,
      %parallel_loop3A_335 = tpu.vector_load_idx %arg13[%parallel_loop3A_285, %parallel_loop3A_288] : memref<128x128xf32, #tpu.memory_space<vmem>>[vector<16xi32>, vector<16xi32>], vector<16xf32>,
      %parallel_loop3A_336 = arith.constant 8 : i32
      %parallel_loop3A_337 = arith.divsi %parallel_loop3A_234, %parallel_loop3A_336 : i32
      %parallel_loop3A_338 = arith.constant 0 : i32
      %parallel_loop3A_339 = arith.cmpi sgt, %parallel_loop3A_234, %parallel_loop3A_338 : i32
      %parallel_loop3A_340 = arith.extui %parallel_loop3A_339 : i1 to i32
      %parallel_loop3A_341 = arith.constant 0 : i32
      %parallel_loop3A_342 = arith.cmpi slt, %parallel_loop3A_234, %parallel_loop3A_341 : i32
      %parallel_loop3A_343 = arith.extui %parallel_loop3A_342 : i1 to i32
      %parallel_loop3A_344 = arith.subi %parallel_loop3A_340, %parallel_loop3A_343 : i32
      %parallel_loop3A_345 = arith.constant 0 : i32
      %parallel_loop3A_346 = arith.cmpi sgt, %parallel_loop3A_336, %parallel_loop3A_345 : i32
      %parallel_loop3A_347 = arith.extui %parallel_loop3A_346 : i1 to i32
      %parallel_loop3A_348 = arith.constant 0 : i32
      %parallel_loop3A_349 = arith.cmpi slt, %parallel_loop3A_336, %parallel_loop3A_348 : i32
      %parallel_loop3A_350 = arith.extui %parallel_loop3A_349 : i1 to i32
      %parallel_loop3A_351 = arith.subi %parallel_loop3A_347, %parallel_loop3A_350 : i32
      %parallel_loop3A_352 = arith.cmpi ne, %parallel_loop3A_344, %parallel_loop3A_351 : i32
      %parallel_loop3A_353 = arith.remsi %parallel_loop3A_234, %parallel_loop3A_336 : i32
      %parallel_loop3A_354 = arith.constant 0 : i32
      %parallel_loop3A_355 = arith.cmpi ne, %parallel_loop3A_353, %parallel_loop3A_354 : i32
      %parallel_loop3A_356 = arith.andi %parallel_loop3A_352, %parallel_loop3A_355 : i1
      %parallel_loop3A_357 = arith.constant 1 : i32
      %parallel_loop3A_358 = arith.subi %parallel_loop3A_337, %parallel_loop3A_357 : i32
      %parallel_loop3A_359 = arith.select %parallel_loop3A_356, %parallel_loop3A_358, %parallel_loop3A_337 : i32
      %parallel_loop3A_360 = arith.constant 8 : i32
      %parallel_loop3A_361 = arith.constant 0 : i32
      %parallel_loop3A_362 = arith.cmpi eq, %parallel_loop3A_360, %parallel_loop3A_361 : i32
      %parallel_loop3A_363 = arith.constant 1 : i32
      %parallel_loop3A_364 = arith.select %parallel_loop3A_362, %parallel_loop3A_363, %parallel_loop3A_360 : i32
      %parallel_loop3A_365 = arith.remsi %parallel_loop3A_234, %parallel_loop3A_364 : i32
      %parallel_loop3A_366 = arith.constant 0 : i32
      %parallel_loop3A_367 = arith.cmpi ne, %parallel_loop3A_365, %parallel_loop3A_366 : i32
      %parallel_loop3A_368 = arith.constant 0 : i32
      %parallel_loop3A_369 = arith.cmpi slt, %parallel_loop3A_365, %parallel_loop3A_368 : i32
      %parallel_loop3A_370 = arith.constant 0 : i32
      %parallel_loop3A_371 = arith.cmpi slt, %parallel_loop3A_364, %parallel_loop3A_370 : i32
      %parallel_loop3A_372 = arith.xori %parallel_loop3A_369, %parallel_loop3A_371 : i1
      %parallel_loop3A_373 = arith.andi %parallel_loop3A_372, %parallel_loop3A_367 : i1
      %parallel_loop3A_374 = arith.addi %parallel_loop3A_365, %parallel_loop3A_364 : i32
      %parallel_loop3A_375 = arith.select %parallel_loop3A_373, %parallel_loop3A_374, %parallel_loop3A_365 : i32
      %parallel_loop3A_376 = arith.constant 16 : i32
      %parallel_loop3A_377 = arith.muli %parallel_loop3A_375, %parallel_loop3A_376 : i32
      %parallel_loop3A_378 = arith.index_cast %parallel_loop3A_359 : i32 to index
      %parallel_loop3A_379 = arith.index_cast %parallel_loop3A_377 : i32 to index
      %parallel_loop3A_380 = tpu.vector_load %arg10[%parallel_loop3A_378, %parallel_loop3A_379] {strides = array<i32>} : memref<16x128xf32, #tpu.memory_space<vmem>>, vector<16xf32>,
      tpu.vector_store %arg10[%parallel_loop3A_378, %parallel_loop3A_379], %parallel_loop3A_335 {strides = array<i32>} : memref<16x128xf32, #tpu.memory_space<vmem>>, vector<16xf32>,
      %parallel_loop3A_381 = tpu.vector_load_idx %arg14[%parallel_loop3A_285, %parallel_loop3A_288] : memref<128x128xf32, #tpu.memory_space<vmem>>[vector<16xi32>, vector<16xi32>], vector<16xf32>,
      %parallel_loop3A_382 = arith.constant 8 : i32
      %parallel_loop3A_383 = arith.divsi %parallel_loop3A_234, %parallel_loop3A_382 : i32
      %parallel_loop3A_384 = arith.constant 0 : i32
      %parallel_loop3A_385 = arith.cmpi sgt, %parallel_loop3A_234, %parallel_loop3A_384 : i32
      %parallel_loop3A_386 = arith.extui %parallel_loop3A_385 : i1 to i32
      %parallel_loop3A_387 = arith.constant 0 : i32
      %parallel_loop3A_388 = arith.cmpi slt, %parallel_loop3A_234, %parallel_loop3A_387 : i32
      %parallel_loop3A_389 = arith.extui %parallel_loop3A_388 : i1 to i32
      %parallel_loop3A_390 = arith.subi %parallel_loop3A_386, %parallel_loop3A_389 : i32
      %parallel_loop3A_391 = arith.constant 0 : i32
      %parallel_loop3A_392 = arith.cmpi sgt, %parallel_loop3A_382, %parallel_loop3A_391 : i32
      %parallel_loop3A_393 = arith.extui %parallel_loop3A_392 : i1 to i32
      %parallel_loop3A_394 = arith.constant 0 : i32
      %parallel_loop3A_395 = arith.cmpi slt, %parallel_loop3A_382, %parallel_loop3A_394 : i32
      %parallel_loop3A_396 = arith.extui %parallel_loop3A_395 : i1 to i32
      %parallel_loop3A_397 = arith.subi %parallel_loop3A_393, %parallel_loop3A_396 : i32
      %parallel_loop3A_398 = arith.cmpi ne, %parallel_loop3A_390, %parallel_loop3A_397 : i32
      %parallel_loop3A_399 = arith.remsi %parallel_loop3A_234, %parallel_loop3A_382 : i32
      %parallel_loop3A_400 = arith.constant 0 : i32
      %parallel_loop3A_401 = arith.cmpi ne, %parallel_loop3A_399, %parallel_loop3A_400 : i32
      %parallel_loop3A_402 = arith.andi %parallel_loop3A_398, %parallel_loop3A_401 : i1
      %parallel_loop3A_403 = arith.constant 1 : i32
      %parallel_loop3A_404 = arith.subi %parallel_loop3A_383, %parallel_loop3A_403 : i32
      %parallel_loop3A_405 = arith.select %parallel_loop3A_402, %parallel_loop3A_404, %parallel_loop3A_383 : i32
      %parallel_loop3A_406 = arith.constant 8 : i32
      %parallel_loop3A_407 = arith.constant 0 : i32
      %parallel_loop3A_408 = arith.cmpi eq, %parallel_loop3A_406, %parallel_loop3A_407 : i32
      %parallel_loop3A_409 = arith.constant 1 : i32
      %parallel_loop3A_410 = arith.select %parallel_loop3A_408, %parallel_loop3A_409, %parallel_loop3A_406 : i32
      %parallel_loop3A_411 = arith.remsi %parallel_loop3A_234, %parallel_loop3A_410 : i32
      %parallel_loop3A_412 = arith.constant 0 : i32
      %parallel_loop3A_413 = arith.cmpi ne, %parallel_loop3A_411, %parallel_loop3A_412 : i32
      %parallel_loop3A_414 = arith.constant 0 : i32
      %parallel_loop3A_415 = arith.cmpi slt, %parallel_loop3A_411, %parallel_loop3A_414 : i32
      %parallel_loop3A_416 = arith.constant 0 : i32
      %parallel_loop3A_417 = arith.cmpi slt, %parallel_loop3A_410, %parallel_loop3A_416 : i32
      %parallel_loop3A_418 = arith.xori %parallel_loop3A_415, %parallel_loop3A_417 : i1
      %parallel_loop3A_419 = arith.andi %parallel_loop3A_418, %parallel_loop3A_413 : i1
      %parallel_loop3A_420 = arith.addi %parallel_loop3A_411, %parallel_loop3A_410 : i32
      %parallel_loop3A_421 = arith.select %parallel_loop3A_419, %parallel_loop3A_420, %parallel_loop3A_411 : i32
      %parallel_loop3A_422 = arith.constant 16 : i32
      %parallel_loop3A_423 = arith.muli %parallel_loop3A_421, %parallel_loop3A_422 : i32
      %parallel_loop3A_424 = arith.index_cast %parallel_loop3A_405 : i32 to index
      %parallel_loop3A_425 = arith.index_cast %parallel_loop3A_423 : i32 to index
      %parallel_loop3A_426 = tpu.vector_load %arg11[%parallel_loop3A_424, %parallel_loop3A_425] {strides = array<i32>} : memref<16x128xf32, #tpu.memory_space<vmem>>, vector<16xf32>,
      tpu.vector_store %arg11[%parallel_loop3A_424, %parallel_loop3A_425], %parallel_loop3A_381 {strides = array<i32>} : memref<16x128xf32, #tpu.memory_space<vmem>>, vector<16xf32>,
    } {sc.loop_unroll_factor = 4 : i64, sc.parallel_access}
    %mul3A_144 = arith.constant 16 : i32
    %mul3A_145 = arith.muli %select_n3A_30, %mul3A_144 : i32
    %run_scoped3A = arith.constant 0 : i32
    "tpu.region"() ({
      %run_scoped3A_234 = tpu.sem_alloc : memref<!tpu.dma_semaphore, #tpu.memory_space<semaphore_mem>>
      %dma_start3A_235 = arith.constant 0 : i32
      %dma_start3A_236 = tpu.memref_slice %arg5[%run_scoped3A, %select_n3A_54, %mul3A_145, %select_n3A_70, %dma_start3A_235] : memref<3x2x32x8x128xf32, #tpu.memory_space<hbm>> -> memref<1x1x16x1x128xf32, #tpu.memory_space<hbm>>
      %dma_start3A_237 = tpu.memref_squeeze %dma_start3A_236 : memref<1x1x16x1x128xf32, #tpu.memory_space<hbm>> -> memref<16x128xf32, #tpu.memory_space<hbm>>
      %dma_start3A_238 = arith.constant 0 : i32
      %dma_start3A_239 = tpu.memref_slice %arg5[%run_scoped3A, %select_n3A_54, %mul3A_145, %select_n3A_70, %dma_start3A_238] : memref<3x2x32x8x128xf32, #tpu.memory_space<hbm>> -> memref<1x1x16x1x128xf32, #tpu.memory_space<hbm>>
      %dma_start3A_240 = tpu.memref_squeeze %dma_start3A_239 : memref<1x1x16x1x128xf32, #tpu.memory_space<hbm>> -> memref<16x128xf32, #tpu.memory_space<hbm>>
      tpu.enqueue_dma source(%arg9 : memref<16x128xf32, #tpu.memory_space<vmem>>) target(%dma_start3A_240 : memref<16x128xf32, #tpu.memory_space<hbm>>) target_semaphore(%run_scoped3A_234 : memref<!tpu.dma_semaphore, #tpu.memory_space<semaphore_mem>>)
      %dma_wait3A_241 = arith.constant 0 : i32
      %dma_wait3A_242 = tpu.memref_slice %arg5[%run_scoped3A, %select_n3A_54, %mul3A_145, %select_n3A_70, %dma_wait3A_241] : memref<3x2x32x8x128xf32, #tpu.memory_space<hbm>> -> memref<1x1x16x1x128xf32, #tpu.memory_space<hbm>>
      %dma_wait3A_243 = tpu.memref_squeeze %dma_wait3A_242 : memref<1x1x16x1x128xf32, #tpu.memory_space<hbm>> -> memref<16x128xf32, #tpu.memory_space<hbm>>
      %dma_wait3A_244 = arith.constant 0 : i32
      %dma_wait3A_245 = tpu.memref_slice %arg5[%run_scoped3A, %select_n3A_54, %mul3A_145, %select_n3A_70, %dma_wait3A_244] : memref<3x2x32x8x128xf32, #tpu.memory_space<hbm>> -> memref<1x1x16x1x128xf32, #tpu.memory_space<hbm>>
      %dma_wait3A_246 = tpu.memref_squeeze %dma_wait3A_245 : memref<1x1x16x1x128xf32, #tpu.memory_space<hbm>> -> memref<16x128xf32, #tpu.memory_space<hbm>>
      tpu.wait_dma2 semaphore(%run_scoped3A_234 : memref<!tpu.dma_semaphore, #tpu.memory_space<semaphore_mem>>) src(%arg9 : memref<16x128xf32, #tpu.memory_space<vmem>>) dst(%dma_wait3A_246 : memref<16x128xf32, #tpu.memory_space<hbm>>)
      tpu.yield
    }) : () -> ()
    %mul3A_146 = arith.constant 16 : i32
    %mul3A_147 = arith.muli %select_n3A_30, %mul3A_146 : i32
    %run_scoped3A_148 = arith.constant 1 : i32
    "tpu.region"() ({
      %run_scoped3A_234 = tpu.sem_alloc : memref<!tpu.dma_semaphore, #tpu.memory_space<semaphore_mem>>
      %dma_start3A_235 = arith.constant 0 : i32
      %dma_start3A_236 = tpu.memref_slice %arg5[%run_scoped3A_148, %select_n3A_54, %mul3A_147, %select_n3A_70, %dma_start3A_235] : memref<3x2x32x8x128xf32, #tpu.memory_space<hbm>> -> memref<1x1x16x1x128xf32, #tpu.memory_space<hbm>>
      %dma_start3A_237 = tpu.memref_squeeze %dma_start3A_236 : memref<1x1x16x1x128xf32, #tpu.memory_space<hbm>> -> memref<16x128xf32, #tpu.memory_space<hbm>>
      %dma_start3A_238 = arith.constant 0 : i32
      %dma_start3A_239 = tpu.memref_slice %arg5[%run_scoped3A_148, %select_n3A_54, %mul3A_147, %select_n3A_70, %dma_start3A_238] : memref<3x2x32x8x128xf32, #tpu.memory_space<hbm>> -> memref<1x1x16x1x128xf32, #tpu.memory_space<hbm>>
      %dma_start3A_240 = tpu.memref_squeeze %dma_start3A_239 : memref<1x1x16x1x128xf32, #tpu.memory_space<hbm>> -> memref<16x128xf32, #tpu.memory_space<hbm>>
      tpu.enqueue_dma source(%arg10 : memref<16x128xf32, #tpu.memory_space<vmem>>) target(%dma_start3A_240 : memref<16x128xf32, #tpu.memory_space<hbm>>) target_semaphore(%run_scoped3A_234 : memref<!tpu.dma_semaphore, #tpu.memory_space<semaphore_mem>>)
      %dma_wait3A_241 = arith.constant 0 : i32
      %dma_wait3A_242 = tpu.memref_slice %arg5[%run_scoped3A_148, %select_n3A_54, %mul3A_147, %select_n3A_70, %dma_wait3A_241] : memref<3x2x32x8x128xf32, #tpu.memory_space<hbm>> -> memref<1x1x16x1x128xf32, #tpu.memory_space<hbm>>
      %dma_wait3A_243 = tpu.memref_squeeze %dma_wait3A_242 : memref<1x1x16x1x128xf32, #tpu.memory_space<hbm>> -> memref<16x128xf32, #tpu.memory_space<hbm>>
      %dma_wait3A_244 = arith.constant 0 : i32
      %dma_wait3A_245 = tpu.memref_slice %arg5[%run_scoped3A_148, %select_n3A_54, %mul3A_147, %select_n3A_70, %dma_wait3A_244] : memref<3x2x32x8x128xf32, #tpu.memory_space<hbm>> -> memref<1x1x16x1x128xf32, #tpu.memory_space<hbm>>
      %dma_wait3A_246 = tpu.memref_squeeze %dma_wait3A_245 : memref<1x1x16x1x128xf32, #tpu.memory_space<hbm>> -> memref<16x128xf32, #tpu.memory_space<hbm>>
      tpu.wait_dma2 semaphore(%run_scoped3A_234 : memref<!tpu.dma_semaphore, #tpu.memory_space<semaphore_mem>>) src(%arg10 : memref<16x128xf32, #tpu.memory_space<vmem>>) dst(%dma_wait3A_246 : memref<16x128xf32, #tpu.memory_space<hbm>>)
      tpu.yield
    }) : () -> ()
    %mul3A_149 = arith.constant 16 : i32
    %mul3A_150 = arith.muli %select_n3A_30, %mul3A_149 : i32
    %run_scoped3A_151 = arith.constant 2 : i32
    "tpu.region"() ({
      %run_scoped3A_234 = tpu.sem_alloc : memref<!tpu.dma_semaphore, #tpu.memory_space<semaphore_mem>>
      %dma_start3A_235 = arith.constant 0 : i32
      %dma_start3A_236 = tpu.memref_slice %arg5[%run_scoped3A_151, %select_n3A_54, %mul3A_150, %select_n3A_70, %dma_start3A_235] : memref<3x2x32x8x128xf32, #tpu.memory_space<hbm>> -> memref<1x1x16x1x128xf32, #tpu.memory_space<hbm>>
      %dma_start3A_237 = tpu.memref_squeeze %dma_start3A_236 : memref<1x1x16x1x128xf32, #tpu.memory_space<hbm>> -> memref<16x128xf32, #tpu.memory_space<hbm>>
      %dma_start3A_238 = arith.constant 0 : i32
      %dma_start3A_239 = tpu.memref_slice %arg5[%run_scoped3A_151, %select_n3A_54, %mul3A_150, %select_n3A_70, %dma_start3A_238] : memref<3x2x32x8x128xf32, #tpu.memory_space<hbm>> -> memref<1x1x16x1x128xf32, #tpu.memory_space<hbm>>
      %dma_start3A_240 = tpu.memref_squeeze %dma_start3A_239 : memref<1x1x16x1x128xf32, #tpu.memory_space<hbm>> -> memref<16x128xf32, #tpu.memory_space<hbm>>
      tpu.enqueue_dma source(%arg11 : memref<16x128xf32, #tpu.memory_space<vmem>>) target(%dma_start3A_240 : memref<16x128xf32, #tpu.memory_space<hbm>>) target_semaphore(%run_scoped3A_234 : memref<!tpu.dma_semaphore, #tpu.memory_space<semaphore_mem>>)
      %dma_wait3A_241 = arith.constant 0 : i32
      %dma_wait3A_242 = tpu.memref_slice %arg5[%run_scoped3A_151, %select_n3A_54, %mul3A_150, %select_n3A_70, %dma_wait3A_241] : memref<3x2x32x8x128xf32, #tpu.memory_space<hbm>> -> memref<1x1x16x1x128xf32, #tpu.memory_space<hbm>>
      %dma_wait3A_243 = tpu.memref_squeeze %dma_wait3A_242 : memref<1x1x16x1x128xf32, #tpu.memory_space<hbm>> -> memref<16x128xf32, #tpu.memory_space<hbm>>
      %dma_wait3A_244 = arith.constant 0 : i32
      %dma_wait3A_245 = tpu.memref_slice %arg5[%run_scoped3A_151, %select_n3A_54, %mul3A_150, %select_n3A_70, %dma_wait3A_244] : memref<3x2x32x8x128xf32, #tpu.memory_space<hbm>> -> memref<1x1x16x1x128xf32, #tpu.memory_space<hbm>>
      %dma_wait3A_246 = tpu.memref_squeeze %dma_wait3A_245 : memref<1x1x16x1x128xf32, #tpu.memory_space<hbm>> -> memref<16x128xf32, #tpu.memory_space<hbm>>
      tpu.wait_dma2 semaphore(%run_scoped3A_234 : memref<!tpu.dma_semaphore, #tpu.memory_space<semaphore_mem>>) src(%arg11 : memref<16x128xf32, #tpu.memory_space<vmem>>) dst(%dma_wait3A_246 : memref<16x128xf32, #tpu.memory_space<hbm>>)
      tpu.yield
    }) : () -> ()
    %add3A_152 = arith.constant 0 : i32
    %add3A_153 = arith.addi %add3A_75, %add3A_152 : i32
    %dma_start3A_154 = arith.constant 0 : i32
    %dma_start3A_155 = arith.constant 0 : i32
    %dma_start3A_156 = arith.constant 0 : i32
    %dma_start3A_157 = tpu.memref_slice %arg3[%add3A_153, %dma_start3A_155, %dma_start3A_154, %dma_start3A_156] : memref<512x128x8x128xf32, #tpu.memory_space<hbm>> -> memref<1x128x1x128xf32, #tpu.memory_space<hbm>>
    %dma_start3A_158 = tpu.memref_squeeze %dma_start3A_157 : memref<1x128x1x128xf32, #tpu.memory_space<hbm>> -> memref<128x128xf32, #tpu.memory_space<hbm>>
    %dma_start3A_159 = arith.constant 0 : i32
    %dma_start3A_160 = arith.constant 0 : i32
    %dma_start3A_161 = tpu.memref_slice %arg3[%add3A_153, %dma_start3A_159, %dma_start3A_154, %dma_start3A_160] : memref<512x128x8x128xf32, #tpu.memory_space<hbm>> -> memref<1x128x1x128xf32, #tpu.memory_space<hbm>>
    %dma_start3A_162 = tpu.memref_squeeze %dma_start3A_161 : memref<1x128x1x128xf32, #tpu.memory_space<hbm>> -> memref<128x128xf32, #tpu.memory_space<hbm>>
    tpu.enqueue_dma source(%dma_start3A_162 : memref<128x128xf32, #tpu.memory_space<hbm>>) target(%arg12 : memref<128x128xf32, #tpu.memory_space<vmem>>) target_semaphore(%arg20 : memref<!tpu.dma_semaphore, #tpu.memory_space<semaphore_mem>>)
    %add3A_163 = arith.constant 0 : i32
    %add3A_164 = arith.addi %add3A_75, %add3A_163 : i32
    %dma_start3A_165 = arith.constant 1 : i32
    %dma_start3A_166 = arith.constant 0 : i32
    %dma_start3A_167 = arith.constant 0 : i32
    %dma_start3A_168 = tpu.memref_slice %arg3[%add3A_164, %dma_start3A_166, %dma_start3A_165, %dma_start3A_167] : memref<512x128x8x128xf32, #tpu.memory_space<hbm>> -> memref<1x128x1x128xf32, #tpu.memory_space<hbm>>
    %dma_start3A_169 = tpu.memref_squeeze %dma_start3A_168 : memref<1x128x1x128xf32, #tpu.memory_space<hbm>> -> memref<128x128xf32, #tpu.memory_space<hbm>>
    %dma_start3A_170 = arith.constant 0 : i32
    %dma_start3A_171 = arith.constant 0 : i32
    %dma_start3A_172 = tpu.memref_slice %arg3[%add3A_164, %dma_start3A_170, %dma_start3A_165, %dma_start3A_171] : memref<512x128x8x128xf32, #tpu.memory_space<hbm>> -> memref<1x128x1x128xf32, #tpu.memory_space<hbm>>
    %dma_start3A_173 = tpu.memref_squeeze %dma_start3A_172 : memref<1x128x1x128xf32, #tpu.memory_space<hbm>> -> memref<128x128xf32, #tpu.memory_space<hbm>>
    tpu.enqueue_dma source(%dma_start3A_173 : memref<128x128xf32, #tpu.memory_space<hbm>>) target(%arg13 : memref<128x128xf32, #tpu.memory_space<vmem>>) target_semaphore(%arg21 : memref<!tpu.dma_semaphore, #tpu.memory_space<semaphore_mem>>)
    %add3A_174 = arith.constant 0 : i32
    %add3A_175 = arith.addi %add3A_75, %add3A_174 : i32
    %dma_start3A_176 = arith.constant 2 : i32
    %dma_start3A_177 = arith.constant 0 : i32
    %dma_start3A_178 = arith.constant 0 : i32
    %dma_start3A_179 = tpu.memref_slice %arg3[%add3A_175, %dma_start3A_177, %dma_start3A_176, %dma_start3A_178] : memref<512x128x8x128xf32, #tpu.memory_space<hbm>> -> memref<1x128x1x128xf32, #tpu.memory_space<hbm>>
    %dma_start3A_180 = tpu.memref_squeeze %dma_start3A_179 : memref<1x128x1x128xf32, #tpu.memory_space<hbm>> -> memref<128x128xf32, #tpu.memory_space<hbm>>
    %dma_start3A_181 = arith.constant 0 : i32
    %dma_start3A_182 = arith.constant 0 : i32
    %dma_start3A_183 = tpu.memref_slice %arg3[%add3A_175, %dma_start3A_181, %dma_start3A_176, %dma_start3A_182] : memref<512x128x8x128xf32, #tpu.memory_space<hbm>> -> memref<1x128x1x128xf32, #tpu.memory_space<hbm>>
    %dma_start3A_184 = tpu.memref_squeeze %dma_start3A_183 : memref<1x128x1x128xf32, #tpu.memory_space<hbm>> -> memref<128x128xf32, #tpu.memory_space<hbm>>
    tpu.enqueue_dma source(%dma_start3A_184 : memref<128x128xf32, #tpu.memory_space<hbm>>) target(%arg14 : memref<128x128xf32, #tpu.memory_space<vmem>>) target_semaphore(%arg22 : memref<!tpu.dma_semaphore, #tpu.memory_space<semaphore_mem>>)
    %scan3A = arith.constant 0 : i32
    %scan3A_185 = arith.constant 0 : i32
    %scan3A_186 = arith.constant 32 : i32
    %scan3A_187 = arith.addi %scan3A_185, %scan3A_186 : i32
    %scan3A_188 = arith.constant 1 : i32
    scf.for %scan3A_234 = %scan3A_185 to %scan3A_187 step %scan3A_188  : i32 {
      %mul3A_235 = arith.constant 4 : i32
      %mul3A_236 = arith.muli %scan3A_234, %mul3A_235 : i32
      %add3A_237 = arith.constant 0 : i32
      %add3A_238 = arith.addi %mul3A_236, %add3A_237 : i32
      %add3A_239 = arith.constant 0 : i32
      %add3A_240 = arith.addi %add3A_75, %add3A_239 : i32
      %dma_wait3A_241 = arith.constant 0 : i32
      %dma_wait3A_242 = arith.constant 0 : i32
      %dma_wait3A_243 = arith.constant 0 : i32
      %dma_wait3A_244 = tpu.memref_slice %arg3[%add3A_240, %dma_wait3A_242, %dma_wait3A_241, %dma_wait3A_243] : memref<512x128x8x128xf32, #tpu.memory_space<hbm>> -> memref<1x128x1x128xf32, #tpu.memory_space<hbm>>
      %dma_wait3A_245 = tpu.memref_squeeze %dma_wait3A_244 : memref<1x128x1x128xf32, #tpu.memory_space<hbm>> -> memref<128x128xf32, #tpu.memory_space<hbm>>
      %dma_wait3A_246 = arith.constant 0 : i32
      %dma_wait3A_247 = arith.constant 0 : i32
      %dma_wait3A_248 = tpu.memref_slice %arg3[%add3A_240, %dma_wait3A_246, %dma_wait3A_241, %dma_wait3A_247] : memref<512x128x8x128xf32, #tpu.memory_space<hbm>> -> memref<1x128x1x128xf32, #tpu.memory_space<hbm>>
      %dma_wait3A_249 = tpu.memref_squeeze %dma_wait3A_248 : memref<1x128x1x128xf32, #tpu.memory_space<hbm>> -> memref<128x128xf32, #tpu.memory_space<hbm>>
      tpu.wait_dma2 semaphore(%arg20 : memref<!tpu.dma_semaphore, #tpu.memory_space<semaphore_mem>>) src(%dma_wait3A_249 : memref<128x128xf32, #tpu.memory_space<hbm>>) dst(%arg12 : memref<128x128xf32, #tpu.memory_space<vmem>>)
      %gt3A = arith.constant 0 : i32
      %gt3A_250 = arith.cmpi sgt, %scan3A_234, %gt3A : i32
      %convert_element_type3A_251 = arith.extui %gt3A_250 : i1 to i32
      %cond3A_252 = arith.constant 0 : i32
      %cond3A_253 = arith.cmpi ne, %convert_element_type3A_251, %cond3A_252 : i32
      scf.if %cond3A_253 {
        %add3A_550 = arith.constant 0 : i32
        %add3A_551 = arith.addi %add3A_75, %add3A_550 : i32
        %dma_wait3A_552 = arith.constant 0 : i32
        %dma_wait3A_553 = arith.constant 0 : i32
        %dma_wait3A_554 = arith.constant 0 : i32
        %dma_wait3A_555 = tpu.memref_slice %arg6[%add3A_551, %dma_wait3A_553, %dma_wait3A_552, %dma_wait3A_554] : memref<512x32x8x128xf32, #tpu.memory_space<hbm>> -> memref<1x32x1x128xf32, #tpu.memory_space<hbm>>
        %dma_wait3A_556 = tpu.memref_squeeze %dma_wait3A_555 : memref<1x32x1x128xf32, #tpu.memory_space<hbm>> -> memref<32x128xf32, #tpu.memory_space<hbm>>
        %dma_wait3A_557 = arith.constant 0 : i32
        %dma_wait3A_558 = arith.constant 0 : i32
        %dma_wait3A_559 = tpu.memref_slice %arg6[%add3A_551, %dma_wait3A_557, %dma_wait3A_552, %dma_wait3A_558] : memref<512x32x8x128xf32, #tpu.memory_space<hbm>> -> memref<1x32x1x128xf32, #tpu.memory_space<hbm>>
        %dma_wait3A_560 = tpu.memref_squeeze %dma_wait3A_559 : memref<1x32x1x128xf32, #tpu.memory_space<hbm>> -> memref<32x128xf32, #tpu.memory_space<hbm>>
        tpu.wait_dma2 semaphore(%arg24 : memref<!tpu.dma_semaphore, #tpu.memory_space<semaphore_mem>>) src(%arg16 : memref<32x128xf32, #tpu.memory_space<vmem>>) dst(%dma_wait3A_560 : memref<32x128xf32, #tpu.memory_space<hbm>>)
      } else {
      }
      %parallel_loop3A_254 = arith.constant 0 : i32
      %parallel_loop3A_255 = arith.constant 256 : i32
      %parallel_loop3A_256 = arith.constant 1 : i32
      scf.for %parallel_loop3A_550 = %parallel_loop3A_254 to %parallel_loop3A_255 step %parallel_loop3A_256  : i32 {
        %parallel_loop3A_551 = arith.constant 8 : i32
        %parallel_loop3A_552 = arith.divsi %parallel_loop3A_550, %parallel_loop3A_551 : i32
        %parallel_loop3A_553 = arith.constant 0 : i32
        %parallel_loop3A_554 = arith.cmpi sgt, %parallel_loop3A_550, %parallel_loop3A_553 : i32
        %parallel_loop3A_555 = arith.extui %parallel_loop3A_554 : i1 to i32
        %parallel_loop3A_556 = arith.constant 0 : i32
        %parallel_loop3A_557 = arith.cmpi slt, %parallel_loop3A_550, %parallel_loop3A_556 : i32
        %parallel_loop3A_558 = arith.extui %parallel_loop3A_557 : i1 to i32
        %parallel_loop3A_559 = arith.subi %parallel_loop3A_555, %parallel_loop3A_558 : i32
        %parallel_loop3A_560 = arith.constant 0 : i32
        %parallel_loop3A_561 = arith.cmpi sgt, %parallel_loop3A_551, %parallel_loop3A_560 : i32
        %parallel_loop3A_562 = arith.extui %parallel_loop3A_561 : i1 to i32
        %parallel_loop3A_563 = arith.constant 0 : i32
        %parallel_loop3A_564 = arith.cmpi slt, %parallel_loop3A_551, %parallel_loop3A_563 : i32
        %parallel_loop3A_565 = arith.extui %parallel_loop3A_564 : i1 to i32
        %parallel_loop3A_566 = arith.subi %parallel_loop3A_562, %parallel_loop3A_565 : i32
        %parallel_loop3A_567 = arith.cmpi ne, %parallel_loop3A_559, %parallel_loop3A_566 : i32
        %parallel_loop3A_568 = arith.remsi %parallel_loop3A_550, %parallel_loop3A_551 : i32
        %parallel_loop3A_569 = arith.constant 0 : i32
        %parallel_loop3A_570 = arith.cmpi ne, %parallel_loop3A_568, %parallel_loop3A_569 : i32
        %parallel_loop3A_571 = arith.andi %parallel_loop3A_567, %parallel_loop3A_570 : i1
        %parallel_loop3A_572 = arith.constant 1 : i32
        %parallel_loop3A_573 = arith.subi %parallel_loop3A_552, %parallel_loop3A_572 : i32
        %parallel_loop3A_574 = arith.select %parallel_loop3A_571, %parallel_loop3A_573, %parallel_loop3A_552 : i32
        %parallel_loop3A_575 = arith.constant 8 : i32
        %parallel_loop3A_576 = arith.constant 0 : i32
        %parallel_loop3A_577 = arith.cmpi eq, %parallel_loop3A_575, %parallel_loop3A_576 : i32
        %parallel_loop3A_578 = arith.constant 1 : i32
        %parallel_loop3A_579 = arith.select %parallel_loop3A_577, %parallel_loop3A_578, %parallel_loop3A_575 : i32
        %parallel_loop3A_580 = arith.remsi %parallel_loop3A_550, %parallel_loop3A_579 : i32
        %parallel_loop3A_581 = arith.constant 0 : i32
        %parallel_loop3A_582 = arith.cmpi ne, %parallel_loop3A_580, %parallel_loop3A_581 : i32
        %parallel_loop3A_583 = arith.constant 0 : i32
        %parallel_loop3A_584 = arith.cmpi slt, %parallel_loop3A_580, %parallel_loop3A_583 : i32
        %parallel_loop3A_585 = arith.constant 0 : i32
        %parallel_loop3A_586 = arith.cmpi slt, %parallel_loop3A_579, %parallel_loop3A_585 : i32
        %parallel_loop3A_587 = arith.xori %parallel_loop3A_584, %parallel_loop3A_586 : i1
        %parallel_loop3A_588 = arith.andi %parallel_loop3A_587, %parallel_loop3A_582 : i1
        %parallel_loop3A_589 = arith.addi %parallel_loop3A_580, %parallel_loop3A_579 : i32
        %parallel_loop3A_590 = arith.select %parallel_loop3A_588, %parallel_loop3A_589, %parallel_loop3A_580 : i32
        %parallel_loop3A_591 = arith.constant 16 : i32
        %parallel_loop3A_592 = arith.muli %parallel_loop3A_590, %parallel_loop3A_591 : i32
        %parallel_loop3A_593 = arith.index_cast %parallel_loop3A_574 : i32 to index
        %parallel_loop3A_594 = arith.index_cast %parallel_loop3A_592 : i32 to index
        %parallel_loop3A_595 = tpu.vector_load %arg8[%parallel_loop3A_593, %parallel_loop3A_594] {strides = array<i32>} : memref<32x128xi32, #tpu.memory_space<vmem>>, vector<16xi32>,
        %parallel_loop3A_596 = arith.constant 7 : i32
        %parallel_loop3A_597 = vector.broadcast %parallel_loop3A_596 : i32 to vector<16xi32>
        %parallel_loop3A_598 = arith.shrsi %parallel_loop3A_595, %parallel_loop3A_597 : vector<16xi32>
        %parallel_loop3A_599 = arith.constant 127 : i32
        %parallel_loop3A_600 = vector.broadcast %parallel_loop3A_599 : i32 to vector<16xi32>
        %parallel_loop3A_601 = arith.andi %parallel_loop3A_595, %parallel_loop3A_600 : vector<16xi32>
        %parallel_loop3A_602 = tpu.vector_load_idx %arg12[%parallel_loop3A_598, %parallel_loop3A_601] : memref<128x128xf32, #tpu.memory_space<vmem>>[vector<16xi32>, vector<16xi32>], vector<16xf32>,
        %parallel_loop3A_603 = arith.constant 8 : i32
        %parallel_loop3A_604 = arith.divsi %parallel_loop3A_550, %parallel_loop3A_603 : i32
        %parallel_loop3A_605 = arith.constant 0 : i32
        %parallel_loop3A_606 = arith.cmpi sgt, %parallel_loop3A_550, %parallel_loop3A_605 : i32
        %parallel_loop3A_607 = arith.extui %parallel_loop3A_606 : i1 to i32
        %parallel_loop3A_608 = arith.constant 0 : i32
        %parallel_loop3A_609 = arith.cmpi slt, %parallel_loop3A_550, %parallel_loop3A_608 : i32
        %parallel_loop3A_610 = arith.extui %parallel_loop3A_609 : i1 to i32
        %parallel_loop3A_611 = arith.subi %parallel_loop3A_607, %parallel_loop3A_610 : i32
        %parallel_loop3A_612 = arith.constant 0 : i32
        %parallel_loop3A_613 = arith.cmpi sgt, %parallel_loop3A_603, %parallel_loop3A_612 : i32
        %parallel_loop3A_614 = arith.extui %parallel_loop3A_613 : i1 to i32
        %parallel_loop3A_615 = arith.constant 0 : i32
        %parallel_loop3A_616 = arith.cmpi slt, %parallel_loop3A_603, %parallel_loop3A_615 : i32
        %parallel_loop3A_617 = arith.extui %parallel_loop3A_616 : i1 to i32
        %parallel_loop3A_618 = arith.subi %parallel_loop3A_614, %parallel_loop3A_617 : i32
        %parallel_loop3A_619 = arith.cmpi ne, %parallel_loop3A_611, %parallel_loop3A_618 : i32
        %parallel_loop3A_620 = arith.remsi %parallel_loop3A_550, %parallel_loop3A_603 : i32
        %parallel_loop3A_621 = arith.constant 0 : i32
        %parallel_loop3A_622 = arith.cmpi ne, %parallel_loop3A_620, %parallel_loop3A_621 : i32
        %parallel_loop3A_623 = arith.andi %parallel_loop3A_619, %parallel_loop3A_622 : i1
        %parallel_loop3A_624 = arith.constant 1 : i32
        %parallel_loop3A_625 = arith.subi %parallel_loop3A_604, %parallel_loop3A_624 : i32
        %parallel_loop3A_626 = arith.select %parallel_loop3A_623, %parallel_loop3A_625, %parallel_loop3A_604 : i32
        %parallel_loop3A_627 = arith.constant 8 : i32
        %parallel_loop3A_628 = arith.constant 0 : i32
        %parallel_loop3A_629 = arith.cmpi eq, %parallel_loop3A_627, %parallel_loop3A_628 : i32
        %parallel_loop3A_630 = arith.constant 1 : i32
        %parallel_loop3A_631 = arith.select %parallel_loop3A_629, %parallel_loop3A_630, %parallel_loop3A_627 : i32
        %parallel_loop3A_632 = arith.remsi %parallel_loop3A_550, %parallel_loop3A_631 : i32
        %parallel_loop3A_633 = arith.constant 0 : i32
        %parallel_loop3A_634 = arith.cmpi ne, %parallel_loop3A_632, %parallel_loop3A_633 : i32
        %parallel_loop3A_635 = arith.constant 0 : i32
        %parallel_loop3A_636 = arith.cmpi slt, %parallel_loop3A_632, %parallel_loop3A_635 : i32
        %parallel_loop3A_637 = arith.constant 0 : i32
        %parallel_loop3A_638 = arith.cmpi slt, %parallel_loop3A_631, %parallel_loop3A_637 : i32
        %parallel_loop3A_639 = arith.xori %parallel_loop3A_636, %parallel_loop3A_638 : i1
        %parallel_loop3A_640 = arith.andi %parallel_loop3A_639, %parallel_loop3A_634 : i1
        %parallel_loop3A_641 = arith.addi %parallel_loop3A_632, %parallel_loop3A_631 : i32
        %parallel_loop3A_642 = arith.select %parallel_loop3A_640, %parallel_loop3A_641, %parallel_loop3A_632 : i32
        %parallel_loop3A_643 = arith.constant 16 : i32
        %parallel_loop3A_644 = arith.muli %parallel_loop3A_642, %parallel_loop3A_643 : i32
        %parallel_loop3A_645 = arith.index_cast %parallel_loop3A_626 : i32 to index
        %parallel_loop3A_646 = arith.index_cast %parallel_loop3A_644 : i32 to index
        %parallel_loop3A_647 = tpu.vector_load %arg16[%parallel_loop3A_645, %parallel_loop3A_646] {strides = array<i32>} : memref<32x128xf32, #tpu.memory_space<vmem>>, vector<16xf32>,
        tpu.vector_store %arg16[%parallel_loop3A_645, %parallel_loop3A_646], %parallel_loop3A_602 {strides = array<i32>} : memref<32x128xf32, #tpu.memory_space<vmem>>, vector<16xf32>,
      } {sc.loop_unroll_factor = 16 : i64, sc.parallel_access}
      %jit3A_257 = arith.constant 8 : i32
      %div3A_258 = arith.divsi %add3A_238, %jit3A_257 : i32
      %sign3A_259 = arith.constant 0 : i32
      %sign3A_260 = arith.cmpi sgt, %add3A_238, %sign3A_259 : i32
      %sign3A_261 = arith.extui %sign3A_260 : i1 to i32
      %sign3A_262 = arith.constant 0 : i32
      %sign3A_263 = arith.cmpi slt, %add3A_238, %sign3A_262 : i32
      %sign3A_264 = arith.extui %sign3A_263 : i1 to i32
      %sign3A_265 = arith.subi %sign3A_261, %sign3A_264 : i32
      %sign3A_266 = arith.constant 0 : i32
      %sign3A_267 = arith.cmpi sgt, %jit3A_257, %sign3A_266 : i32
      %sign3A_268 = arith.extui %sign3A_267 : i1 to i32
      %sign3A_269 = arith.constant 0 : i32
      %sign3A_270 = arith.cmpi slt, %jit3A_257, %sign3A_269 : i32
      %sign3A_271 = arith.extui %sign3A_270 : i1 to i32
      %sign3A_272 = arith.subi %sign3A_268, %sign3A_271 : i32
      %ne3A_273 = arith.cmpi ne, %sign3A_265, %sign3A_272 : i32
      %rem3A_274 = arith.remsi %add3A_238, %jit3A_257 : i32
      %ne3A_275 = arith.constant 0 : i32
      %ne3A_276 = arith.cmpi ne, %rem3A_274, %ne3A_275 : i32
      %and3A_277 = arith.andi %ne3A_273, %ne3A_276 : i1
      %sub3A_278 = arith.constant 1 : i32
      %sub3A_279 = arith.subi %div3A_258, %sub3A_278 : i32
      %select_n3A_280 = arith.select %and3A_277, %sub3A_279, %div3A_258 : i32
      %add3A_281 = arith.addi %add3A_75, %select_n3A_280 : i32
      %jit3A_282 = arith.constant 8 : i32
      %eq3A_283 = arith.constant 0 : i32
      %eq3A_284 = arith.cmpi eq, %jit3A_282, %eq3A_283 : i32
      %jit3A_285 = arith.constant 1 : i32
      %select_n3A_286 = arith.select %eq3A_284, %jit3A_285, %jit3A_282 : i32
      %rem3A_287 = arith.remsi %add3A_238, %select_n3A_286 : i32
      %ne3A_288 = arith.constant 0 : i32
      %ne3A_289 = arith.cmpi ne, %rem3A_287, %ne3A_288 : i32
      %lt3A_290 = arith.constant 0 : i32
      %lt3A_291 = arith.cmpi slt, %rem3A_287, %lt3A_290 : i32
      %lt3A_292 = arith.constant 0 : i32
      %lt3A_293 = arith.cmpi slt, %select_n3A_286, %lt3A_292 : i32
      %ne3A_294 = arith.xori %lt3A_291, %lt3A_293 : i1
      %and3A_295 = arith.andi %ne3A_294, %ne3A_289 : i1
      %add3A_296 = arith.addi %rem3A_287, %select_n3A_286 : i32
      %select_n3A_297 = arith.select %and3A_295, %add3A_296, %rem3A_287 : i32
      %dma_start3A_298 = arith.constant 0 : i32
      %dma_start3A_299 = arith.constant 0 : i32
      %dma_start3A_300 = tpu.memref_slice %arg6[%add3A_281, %dma_start3A_298, %select_n3A_297, %dma_start3A_299] : memref<512x32x8x128xf32, #tpu.memory_space<hbm>> -> memref<1x32x1x128xf32, #tpu.memory_space<hbm>>
      %dma_start3A_301 = tpu.memref_squeeze %dma_start3A_300 : memref<1x32x1x128xf32, #tpu.memory_space<hbm>> -> memref<32x128xf32, #tpu.memory_space<hbm>>
      %dma_start3A_302 = arith.constant 0 : i32
      %dma_start3A_303 = arith.constant 0 : i32
      %dma_start3A_304 = tpu.memref_slice %arg6[%add3A_281, %dma_start3A_302, %select_n3A_297, %dma_start3A_303] : memref<512x32x8x128xf32, #tpu.memory_space<hbm>> -> memref<1x32x1x128xf32, #tpu.memory_space<hbm>>
      %dma_start3A_305 = tpu.memref_squeeze %dma_start3A_304 : memref<1x32x1x128xf32, #tpu.memory_space<hbm>> -> memref<32x128xf32, #tpu.memory_space<hbm>>
      tpu.enqueue_dma source(%arg16 : memref<32x128xf32, #tpu.memory_space<vmem>>) target(%dma_start3A_305 : memref<32x128xf32, #tpu.memory_space<hbm>>) target_semaphore(%arg24 : memref<!tpu.dma_semaphore, #tpu.memory_space<semaphore_mem>>)
      %add3A_306 = arith.constant 4 : i32
      %add3A_307 = arith.addi %add3A_238, %add3A_306 : i32
      %lt3A_308 = arith.constant 128 : i32
      %lt3A_309 = arith.cmpi slt, %add3A_307, %lt3A_308 : i32
      %convert_element_type3A_310 = arith.extui %lt3A_309 : i1 to i32
      %cond3A_311 = arith.constant 0 : i32
      %cond3A_312 = arith.cmpi ne, %convert_element_type3A_310, %cond3A_311 : i32
      scf.if %cond3A_312 {
        %add3A_550 = arith.constant 4 : i32
        %add3A_551 = arith.addi %add3A_238, %add3A_550 : i32
        %jit3A_552 = arith.constant 8 : i32
        %div3A_553 = arith.divsi %add3A_551, %jit3A_552 : i32
        %sign3A_554 = arith.constant 0 : i32
        %sign3A_555 = arith.cmpi sgt, %add3A_551, %sign3A_554 : i32
        %sign3A_556 = arith.extui %sign3A_555 : i1 to i32
        %sign3A_557 = arith.constant 0 : i32
        %sign3A_558 = arith.cmpi slt, %add3A_551, %sign3A_557 : i32
        %sign3A_559 = arith.extui %sign3A_558 : i1 to i32
        %sign3A_560 = arith.subi %sign3A_556, %sign3A_559 : i32
        %sign3A_561 = arith.constant 0 : i32
        %sign3A_562 = arith.cmpi sgt, %jit3A_552, %sign3A_561 : i32
        %sign3A_563 = arith.extui %sign3A_562 : i1 to i32
        %sign3A_564 = arith.constant 0 : i32
        %sign3A_565 = arith.cmpi slt, %jit3A_552, %sign3A_564 : i32
        %sign3A_566 = arith.extui %sign3A_565 : i1 to i32
        %sign3A_567 = arith.subi %sign3A_563, %sign3A_566 : i32
        %ne3A_568 = arith.cmpi ne, %sign3A_560, %sign3A_567 : i32
        %rem3A_569 = arith.remsi %add3A_551, %jit3A_552 : i32
        %ne3A_570 = arith.constant 0 : i32
        %ne3A_571 = arith.cmpi ne, %rem3A_569, %ne3A_570 : i32
        %and3A_572 = arith.andi %ne3A_568, %ne3A_571 : i1
        %sub3A_573 = arith.constant 1 : i32
        %sub3A_574 = arith.subi %div3A_553, %sub3A_573 : i32
        %select_n3A_575 = arith.select %and3A_572, %sub3A_574, %div3A_553 : i32
        %add3A_576 = arith.addi %add3A_75, %select_n3A_575 : i32
        %jit3A_577 = arith.constant 8 : i32
        %eq3A_578 = arith.constant 0 : i32
        %eq3A_579 = arith.cmpi eq, %jit3A_577, %eq3A_578 : i32
        %jit3A_580 = arith.constant 1 : i32
        %select_n3A_581 = arith.select %eq3A_579, %jit3A_580, %jit3A_577 : i32
        %rem3A_582 = arith.remsi %add3A_551, %select_n3A_581 : i32
        %ne3A_583 = arith.constant 0 : i32
        %ne3A_584 = arith.cmpi ne, %rem3A_582, %ne3A_583 : i32
        %lt3A_585 = arith.constant 0 : i32
        %lt3A_586 = arith.cmpi slt, %rem3A_582, %lt3A_585 : i32
        %lt3A_587 = arith.constant 0 : i32
        %lt3A_588 = arith.cmpi slt, %select_n3A_581, %lt3A_587 : i32
        %ne3A_589 = arith.xori %lt3A_586, %lt3A_588 : i1
        %and3A_590 = arith.andi %ne3A_589, %ne3A_584 : i1
        %add3A_591 = arith.addi %rem3A_582, %select_n3A_581 : i32
        %select_n3A_592 = arith.select %and3A_590, %add3A_591, %rem3A_582 : i32
        %dma_start3A_593 = arith.constant 0 : i32
        %dma_start3A_594 = arith.constant 0 : i32
        %dma_start3A_595 = tpu.memref_slice %arg3[%add3A_576, %dma_start3A_593, %select_n3A_592, %dma_start3A_594] : memref<512x128x8x128xf32, #tpu.memory_space<hbm>> -> memref<1x128x1x128xf32, #tpu.memory_space<hbm>>
        %dma_start3A_596 = tpu.memref_squeeze %dma_start3A_595 : memref<1x128x1x128xf32, #tpu.memory_space<hbm>> -> memref<128x128xf32, #tpu.memory_space<hbm>>
        %dma_start3A_597 = arith.constant 0 : i32
        %dma_start3A_598 = arith.constant 0 : i32
        %dma_start3A_599 = tpu.memref_slice %arg3[%add3A_576, %dma_start3A_597, %select_n3A_592, %dma_start3A_598] : memref<512x128x8x128xf32, #tpu.memory_space<hbm>> -> memref<1x128x1x128xf32, #tpu.memory_space<hbm>>
        %dma_start3A_600 = tpu.memref_squeeze %dma_start3A_599 : memref<1x128x1x128xf32, #tpu.memory_space<hbm>> -> memref<128x128xf32, #tpu.memory_space<hbm>>
        tpu.enqueue_dma source(%dma_start3A_600 : memref<128x128xf32, #tpu.memory_space<hbm>>) target(%arg12 : memref<128x128xf32, #tpu.memory_space<vmem>>) target_semaphore(%arg20 : memref<!tpu.dma_semaphore, #tpu.memory_space<semaphore_mem>>)
      } else {
      }
      %mul3A_313 = arith.constant 4 : i32
      %mul3A_314 = arith.muli %scan3A_234, %mul3A_313 : i32
      %add3A_315 = arith.constant 1 : i32
      %add3A_316 = arith.addi %mul3A_314, %add3A_315 : i32
      %add3A_317 = arith.constant 0 : i32
      %add3A_318 = arith.addi %add3A_75, %add3A_317 : i32
      %dma_wait3A_319 = arith.constant 0 : i32
      %dma_wait3A_320 = arith.constant 0 : i32
      %dma_wait3A_321 = arith.constant 0 : i32
      %dma_wait3A_322 = tpu.memref_slice %arg3[%add3A_318, %dma_wait3A_320, %dma_wait3A_319, %dma_wait3A_321] : memref<512x128x8x128xf32, #tpu.memory_space<hbm>> -> memref<1x128x1x128xf32, #tpu.memory_space<hbm>>
      %dma_wait3A_323 = tpu.memref_squeeze %dma_wait3A_322 : memref<1x128x1x128xf32, #tpu.memory_space<hbm>> -> memref<128x128xf32, #tpu.memory_space<hbm>>
      %dma_wait3A_324 = arith.constant 0 : i32
      %dma_wait3A_325 = arith.constant 0 : i32
      %dma_wait3A_326 = tpu.memref_slice %arg3[%add3A_318, %dma_wait3A_324, %dma_wait3A_319, %dma_wait3A_325] : memref<512x128x8x128xf32, #tpu.memory_space<hbm>> -> memref<1x128x1x128xf32, #tpu.memory_space<hbm>>
      %dma_wait3A_327 = tpu.memref_squeeze %dma_wait3A_326 : memref<1x128x1x128xf32, #tpu.memory_space<hbm>> -> memref<128x128xf32, #tpu.memory_space<hbm>>
      tpu.wait_dma2 semaphore(%arg21 : memref<!tpu.dma_semaphore, #tpu.memory_space<semaphore_mem>>) src(%dma_wait3A_327 : memref<128x128xf32, #tpu.memory_space<hbm>>) dst(%arg13 : memref<128x128xf32, #tpu.memory_space<vmem>>)
      %gt3A_328 = arith.constant 0 : i32
      %gt3A_329 = arith.cmpi sgt, %scan3A_234, %gt3A_328 : i32
      %convert_element_type3A_330 = arith.extui %gt3A_329 : i1 to i32
      %cond3A_331 = arith.constant 0 : i32
      %cond3A_332 = arith.cmpi ne, %convert_element_type3A_330, %cond3A_331 : i32
      scf.if %cond3A_332 {
        %add3A_550 = arith.constant 0 : i32
        %add3A_551 = arith.addi %add3A_75, %add3A_550 : i32
        %dma_wait3A_552 = arith.constant 0 : i32
        %dma_wait3A_553 = arith.constant 0 : i32
        %dma_wait3A_554 = arith.constant 0 : i32
        %dma_wait3A_555 = tpu.memref_slice %arg6[%add3A_551, %dma_wait3A_553, %dma_wait3A_552, %dma_wait3A_554] : memref<512x32x8x128xf32, #tpu.memory_space<hbm>> -> memref<1x32x1x128xf32, #tpu.memory_space<hbm>>
        %dma_wait3A_556 = tpu.memref_squeeze %dma_wait3A_555 : memref<1x32x1x128xf32, #tpu.memory_space<hbm>> -> memref<32x128xf32, #tpu.memory_space<hbm>>
        %dma_wait3A_557 = arith.constant 0 : i32
        %dma_wait3A_558 = arith.constant 0 : i32
        %dma_wait3A_559 = tpu.memref_slice %arg6[%add3A_551, %dma_wait3A_557, %dma_wait3A_552, %dma_wait3A_558] : memref<512x32x8x128xf32, #tpu.memory_space<hbm>> -> memref<1x32x1x128xf32, #tpu.memory_space<hbm>>
        %dma_wait3A_560 = tpu.memref_squeeze %dma_wait3A_559 : memref<1x32x1x128xf32, #tpu.memory_space<hbm>> -> memref<32x128xf32, #tpu.memory_space<hbm>>
        tpu.wait_dma2 semaphore(%arg25 : memref<!tpu.dma_semaphore, #tpu.memory_space<semaphore_mem>>) src(%arg17 : memref<32x128xf32, #tpu.memory_space<vmem>>) dst(%dma_wait3A_560 : memref<32x128xf32, #tpu.memory_space<hbm>>)
      } else {
      }
      %parallel_loop3A_333 = arith.constant 0 : i32
      %parallel_loop3A_334 = arith.constant 256 : i32
      %parallel_loop3A_335 = arith.constant 1 : i32
      scf.for %parallel_loop3A_550 = %parallel_loop3A_333 to %parallel_loop3A_334 step %parallel_loop3A_335  : i32 {
        %parallel_loop3A_551 = arith.constant 8 : i32
        %parallel_loop3A_552 = arith.divsi %parallel_loop3A_550, %parallel_loop3A_551 : i32
        %parallel_loop3A_553 = arith.constant 0 : i32
        %parallel_loop3A_554 = arith.cmpi sgt, %parallel_loop3A_550, %parallel_loop3A_553 : i32
        %parallel_loop3A_555 = arith.extui %parallel_loop3A_554 : i1 to i32
        %parallel_loop3A_556 = arith.constant 0 : i32
        %parallel_loop3A_557 = arith.cmpi slt, %parallel_loop3A_550, %parallel_loop3A_556 : i32
        %parallel_loop3A_558 = arith.extui %parallel_loop3A_557 : i1 to i32
        %parallel_loop3A_559 = arith.subi %parallel_loop3A_555, %parallel_loop3A_558 : i32
        %parallel_loop3A_560 = arith.constant 0 : i32
        %parallel_loop3A_561 = arith.cmpi sgt, %parallel_loop3A_551, %parallel_loop3A_560 : i32
        %parallel_loop3A_562 = arith.extui %parallel_loop3A_561 : i1 to i32
        %parallel_loop3A_563 = arith.constant 0 : i32
        %parallel_loop3A_564 = arith.cmpi slt, %parallel_loop3A_551, %parallel_loop3A_563 : i32
        %parallel_loop3A_565 = arith.extui %parallel_loop3A_564 : i1 to i32
        %parallel_loop3A_566 = arith.subi %parallel_loop3A_562, %parallel_loop3A_565 : i32
        %parallel_loop3A_567 = arith.cmpi ne, %parallel_loop3A_559, %parallel_loop3A_566 : i32
        %parallel_loop3A_568 = arith.remsi %parallel_loop3A_550, %parallel_loop3A_551 : i32
        %parallel_loop3A_569 = arith.constant 0 : i32
        %parallel_loop3A_570 = arith.cmpi ne, %parallel_loop3A_568, %parallel_loop3A_569 : i32
        %parallel_loop3A_571 = arith.andi %parallel_loop3A_567, %parallel_loop3A_570 : i1
        %parallel_loop3A_572 = arith.constant 1 : i32
        %parallel_loop3A_573 = arith.subi %parallel_loop3A_552, %parallel_loop3A_572 : i32
        %parallel_loop3A_574 = arith.select %parallel_loop3A_571, %parallel_loop3A_573, %parallel_loop3A_552 : i32
        %parallel_loop3A_575 = arith.constant 8 : i32
        %parallel_loop3A_576 = arith.constant 0 : i32
        %parallel_loop3A_577 = arith.cmpi eq, %parallel_loop3A_575, %parallel_loop3A_576 : i32
        %parallel_loop3A_578 = arith.constant 1 : i32
        %parallel_loop3A_579 = arith.select %parallel_loop3A_577, %parallel_loop3A_578, %parallel_loop3A_575 : i32
        %parallel_loop3A_580 = arith.remsi %parallel_loop3A_550, %parallel_loop3A_579 : i32
        %parallel_loop3A_581 = arith.constant 0 : i32
        %parallel_loop3A_582 = arith.cmpi ne, %parallel_loop3A_580, %parallel_loop3A_581 : i32
        %parallel_loop3A_583 = arith.constant 0 : i32
        %parallel_loop3A_584 = arith.cmpi slt, %parallel_loop3A_580, %parallel_loop3A_583 : i32
        %parallel_loop3A_585 = arith.constant 0 : i32
        %parallel_loop3A_586 = arith.cmpi slt, %parallel_loop3A_579, %parallel_loop3A_585 : i32
        %parallel_loop3A_587 = arith.xori %parallel_loop3A_584, %parallel_loop3A_586 : i1
        %parallel_loop3A_588 = arith.andi %parallel_loop3A_587, %parallel_loop3A_582 : i1
        %parallel_loop3A_589 = arith.addi %parallel_loop3A_580, %parallel_loop3A_579 : i32
        %parallel_loop3A_590 = arith.select %parallel_loop3A_588, %parallel_loop3A_589, %parallel_loop3A_580 : i32
        %parallel_loop3A_591 = arith.constant 16 : i32
        %parallel_loop3A_592 = arith.muli %parallel_loop3A_590, %parallel_loop3A_591 : i32
        %parallel_loop3A_593 = arith.index_cast %parallel_loop3A_574 : i32 to index
        %parallel_loop3A_594 = arith.index_cast %parallel_loop3A_592 : i32 to index
        %parallel_loop3A_595 = tpu.vector_load %arg8[%parallel_loop3A_593, %parallel_loop3A_594] {strides = array<i32>} : memref<32x128xi32, #tpu.memory_space<vmem>>, vector<16xi32>,
        %parallel_loop3A_596 = arith.constant 7 : i32
        %parallel_loop3A_597 = vector.broadcast %parallel_loop3A_596 : i32 to vector<16xi32>
        %parallel_loop3A_598 = arith.shrsi %parallel_loop3A_595, %parallel_loop3A_597 : vector<16xi32>
        %parallel_loop3A_599 = arith.constant 127 : i32
        %parallel_loop3A_600 = vector.broadcast %parallel_loop3A_599 : i32 to vector<16xi32>
        %parallel_loop3A_601 = arith.andi %parallel_loop3A_595, %parallel_loop3A_600 : vector<16xi32>
        %parallel_loop3A_602 = tpu.vector_load_idx %arg13[%parallel_loop3A_598, %parallel_loop3A_601] : memref<128x128xf32, #tpu.memory_space<vmem>>[vector<16xi32>, vector<16xi32>], vector<16xf32>,
        %parallel_loop3A_603 = arith.constant 8 : i32
        %parallel_loop3A_604 = arith.divsi %parallel_loop3A_550, %parallel_loop3A_603 : i32
        %parallel_loop3A_605 = arith.constant 0 : i32
        %parallel_loop3A_606 = arith.cmpi sgt, %parallel_loop3A_550, %parallel_loop3A_605 : i32
        %parallel_loop3A_607 = arith.extui %parallel_loop3A_606 : i1 to i32
        %parallel_loop3A_608 = arith.constant 0 : i32
        %parallel_loop3A_609 = arith.cmpi slt, %parallel_loop3A_550, %parallel_loop3A_608 : i32
        %parallel_loop3A_610 = arith.extui %parallel_loop3A_609 : i1 to i32
        %parallel_loop3A_611 = arith.subi %parallel_loop3A_607, %parallel_loop3A_610 : i32
        %parallel_loop3A_612 = arith.constant 0 : i32
        %parallel_loop3A_613 = arith.cmpi sgt, %parallel_loop3A_603, %parallel_loop3A_612 : i32
        %parallel_loop3A_614 = arith.extui %parallel_loop3A_613 : i1 to i32
        %parallel_loop3A_615 = arith.constant 0 : i32
        %parallel_loop3A_616 = arith.cmpi slt, %parallel_loop3A_603, %parallel_loop3A_615 : i32
        %parallel_loop3A_617 = arith.extui %parallel_loop3A_616 : i1 to i32
        %parallel_loop3A_618 = arith.subi %parallel_loop3A_614, %parallel_loop3A_617 : i32
        %parallel_loop3A_619 = arith.cmpi ne, %parallel_loop3A_611, %parallel_loop3A_618 : i32
        %parallel_loop3A_620 = arith.remsi %parallel_loop3A_550, %parallel_loop3A_603 : i32
        %parallel_loop3A_621 = arith.constant 0 : i32
        %parallel_loop3A_622 = arith.cmpi ne, %parallel_loop3A_620, %parallel_loop3A_621 : i32
        %parallel_loop3A_623 = arith.andi %parallel_loop3A_619, %parallel_loop3A_622 : i1
        %parallel_loop3A_624 = arith.constant 1 : i32
        %parallel_loop3A_625 = arith.subi %parallel_loop3A_604, %parallel_loop3A_624 : i32
        %parallel_loop3A_626 = arith.select %parallel_loop3A_623, %parallel_loop3A_625, %parallel_loop3A_604 : i32
        %parallel_loop3A_627 = arith.constant 8 : i32
        %parallel_loop3A_628 = arith.constant 0 : i32
        %parallel_loop3A_629 = arith.cmpi eq, %parallel_loop3A_627, %parallel_loop3A_628 : i32
        %parallel_loop3A_630 = arith.constant 1 : i32
        %parallel_loop3A_631 = arith.select %parallel_loop3A_629, %parallel_loop3A_630, %parallel_loop3A_627 : i32
        %parallel_loop3A_632 = arith.remsi %parallel_loop3A_550, %parallel_loop3A_631 : i32
        %parallel_loop3A_633 = arith.constant 0 : i32
        %parallel_loop3A_634 = arith.cmpi ne, %parallel_loop3A_632, %parallel_loop3A_633 : i32
        %parallel_loop3A_635 = arith.constant 0 : i32
        %parallel_loop3A_636 = arith.cmpi slt, %parallel_loop3A_632, %parallel_loop3A_635 : i32
        %parallel_loop3A_637 = arith.constant 0 : i32
        %parallel_loop3A_638 = arith.cmpi slt, %parallel_loop3A_631, %parallel_loop3A_637 : i32
        %parallel_loop3A_639 = arith.xori %parallel_loop3A_636, %parallel_loop3A_638 : i1
        %parallel_loop3A_640 = arith.andi %parallel_loop3A_639, %parallel_loop3A_634 : i1
        %parallel_loop3A_641 = arith.addi %parallel_loop3A_632, %parallel_loop3A_631 : i32
        %parallel_loop3A_642 = arith.select %parallel_loop3A_640, %parallel_loop3A_641, %parallel_loop3A_632 : i32
        %parallel_loop3A_643 = arith.constant 16 : i32
        %parallel_loop3A_644 = arith.muli %parallel_loop3A_642, %parallel_loop3A_643 : i32
        %parallel_loop3A_645 = arith.index_cast %parallel_loop3A_626 : i32 to index
        %parallel_loop3A_646 = arith.index_cast %parallel_loop3A_644 : i32 to index
        %parallel_loop3A_647 = tpu.vector_load %arg17[%parallel_loop3A_645, %parallel_loop3A_646] {strides = array<i32>} : memref<32x128xf32, #tpu.memory_space<vmem>>, vector<16xf32>,
        tpu.vector_store %arg17[%parallel_loop3A_645, %parallel_loop3A_646], %parallel_loop3A_602 {strides = array<i32>} : memref<32x128xf32, #tpu.memory_space<vmem>>, vector<16xf32>,
      } {sc.loop_unroll_factor = 16 : i64, sc.parallel_access}
      %jit3A_336 = arith.constant 8 : i32
      %div3A_337 = arith.divsi %add3A_316, %jit3A_336 : i32
      %sign3A_338 = arith.constant 0 : i32
      %sign3A_339 = arith.cmpi sgt, %add3A_316, %sign3A_338 : i32
      %sign3A_340 = arith.extui %sign3A_339 : i1 to i32
      %sign3A_341 = arith.constant 0 : i32
      %sign3A_342 = arith.cmpi slt, %add3A_316, %sign3A_341 : i32
      %sign3A_343 = arith.extui %sign3A_342 : i1 to i32
      %sign3A_344 = arith.subi %sign3A_340, %sign3A_343 : i32
      %sign3A_345 = arith.constant 0 : i32
      %sign3A_346 = arith.cmpi sgt, %jit3A_336, %sign3A_345 : i32
      %sign3A_347 = arith.extui %sign3A_346 : i1 to i32
      %sign3A_348 = arith.constant 0 : i32
      %sign3A_349 = arith.cmpi slt, %jit3A_336, %sign3A_348 : i32
      %sign3A_350 = arith.extui %sign3A_349 : i1 to i32
      %sign3A_351 = arith.subi %sign3A_347, %sign3A_350 : i32
      %ne3A_352 = arith.cmpi ne, %sign3A_344, %sign3A_351 : i32
      %rem3A_353 = arith.remsi %add3A_316, %jit3A_336 : i32
      %ne3A_354 = arith.constant 0 : i32
      %ne3A_355 = arith.cmpi ne, %rem3A_353, %ne3A_354 : i32
      %and3A_356 = arith.andi %ne3A_352, %ne3A_355 : i1
      %sub3A_357 = arith.constant 1 : i32
      %sub3A_358 = arith.subi %div3A_337, %sub3A_357 : i32
      %select_n3A_359 = arith.select %and3A_356, %sub3A_358, %div3A_337 : i32
      %add3A_360 = arith.addi %add3A_75, %select_n3A_359 : i32
      %jit3A_361 = arith.constant 8 : i32
      %eq3A_362 = arith.constant 0 : i32
      %eq3A_363 = arith.cmpi eq, %jit3A_361, %eq3A_362 : i32
      %jit3A_364 = arith.constant 1 : i32
      %select_n3A_365 = arith.select %eq3A_363, %jit3A_364, %jit3A_361 : i32
      %rem3A_366 = arith.remsi %add3A_316, %select_n3A_365 : i32
      %ne3A_367 = arith.constant 0 : i32
      %ne3A_368 = arith.cmpi ne, %rem3A_366, %ne3A_367 : i32
      %lt3A_369 = arith.constant 0 : i32
      %lt3A_370 = arith.cmpi slt, %rem3A_366, %lt3A_369 : i32
      %lt3A_371 = arith.constant 0 : i32
      %lt3A_372 = arith.cmpi slt, %select_n3A_365, %lt3A_371 : i32
      %ne3A_373 = arith.xori %lt3A_370, %lt3A_372 : i1
      %and3A_374 = arith.andi %ne3A_373, %ne3A_368 : i1
      %add3A_375 = arith.addi %rem3A_366, %select_n3A_365 : i32
      %select_n3A_376 = arith.select %and3A_374, %add3A_375, %rem3A_366 : i32
      %dma_start3A_377 = arith.constant 0 : i32
      %dma_start3A_378 = arith.constant 0 : i32
      %dma_start3A_379 = tpu.memref_slice %arg6[%add3A_360, %dma_start3A_377, %select_n3A_376, %dma_start3A_378] : memref<512x32x8x128xf32, #tpu.memory_space<hbm>> -> memref<1x32x1x128xf32, #tpu.memory_space<hbm>>
      %dma_start3A_380 = tpu.memref_squeeze %dma_start3A_379 : memref<1x32x1x128xf32, #tpu.memory_space<hbm>> -> memref<32x128xf32, #tpu.memory_space<hbm>>
      %dma_start3A_381 = arith.constant 0 : i32
      %dma_start3A_382 = arith.constant 0 : i32
      %dma_start3A_383 = tpu.memref_slice %arg6[%add3A_360, %dma_start3A_381, %select_n3A_376, %dma_start3A_382] : memref<512x32x8x128xf32, #tpu.memory_space<hbm>> -> memref<1x32x1x128xf32, #tpu.memory_space<hbm>>
      %dma_start3A_384 = tpu.memref_squeeze %dma_start3A_383 : memref<1x32x1x128xf32, #tpu.memory_space<hbm>> -> memref<32x128xf32, #tpu.memory_space<hbm>>
      tpu.enqueue_dma source(%arg17 : memref<32x128xf32, #tpu.memory_space<vmem>>) target(%dma_start3A_384 : memref<32x128xf32, #tpu.memory_space<hbm>>) target_semaphore(%arg25 : memref<!tpu.dma_semaphore, #tpu.memory_space<semaphore_mem>>)
      %add3A_385 = arith.constant 4 : i32
      %add3A_386 = arith.addi %add3A_316, %add3A_385 : i32
      %lt3A_387 = arith.constant 128 : i32
      %lt3A_388 = arith.cmpi slt, %add3A_386, %lt3A_387 : i32
      %convert_element_type3A_389 = arith.extui %lt3A_388 : i1 to i32
      %cond3A_390 = arith.constant 0 : i32
      %cond3A_391 = arith.cmpi ne, %convert_element_type3A_389, %cond3A_390 : i32
      scf.if %cond3A_391 {
        %add3A_550 = arith.constant 4 : i32
        %add3A_551 = arith.addi %add3A_316, %add3A_550 : i32
        %jit3A_552 = arith.constant 8 : i32
        %div3A_553 = arith.divsi %add3A_551, %jit3A_552 : i32
        %sign3A_554 = arith.constant 0 : i32
        %sign3A_555 = arith.cmpi sgt, %add3A_551, %sign3A_554 : i32
        %sign3A_556 = arith.extui %sign3A_555 : i1 to i32
        %sign3A_557 = arith.constant 0 : i32
        %sign3A_558 = arith.cmpi slt, %add3A_551, %sign3A_557 : i32
        %sign3A_559 = arith.extui %sign3A_558 : i1 to i32
        %sign3A_560 = arith.subi %sign3A_556, %sign3A_559 : i32
        %sign3A_561 = arith.constant 0 : i32
        %sign3A_562 = arith.cmpi sgt, %jit3A_552, %sign3A_561 : i32
        %sign3A_563 = arith.extui %sign3A_562 : i1 to i32
        %sign3A_564 = arith.constant 0 : i32
        %sign3A_565 = arith.cmpi slt, %jit3A_552, %sign3A_564 : i32
        %sign3A_566 = arith.extui %sign3A_565 : i1 to i32
        %sign3A_567 = arith.subi %sign3A_563, %sign3A_566 : i32
        %ne3A_568 = arith.cmpi ne, %sign3A_560, %sign3A_567 : i32
        %rem3A_569 = arith.remsi %add3A_551, %jit3A_552 : i32
        %ne3A_570 = arith.constant 0 : i32
        %ne3A_571 = arith.cmpi ne, %rem3A_569, %ne3A_570 : i32
        %and3A_572 = arith.andi %ne3A_568, %ne3A_571 : i1
        %sub3A_573 = arith.constant 1 : i32
        %sub3A_574 = arith.subi %div3A_553, %sub3A_573 : i32
        %select_n3A_575 = arith.select %and3A_572, %sub3A_574, %div3A_553 : i32
        %add3A_576 = arith.addi %add3A_75, %select_n3A_575 : i32
        %jit3A_577 = arith.constant 8 : i32
        %eq3A_578 = arith.constant 0 : i32
        %eq3A_579 = arith.cmpi eq, %jit3A_577, %eq3A_578 : i32
        %jit3A_580 = arith.constant 1 : i32
        %select_n3A_581 = arith.select %eq3A_579, %jit3A_580, %jit3A_577 : i32
        %rem3A_582 = arith.remsi %add3A_551, %select_n3A_581 : i32
        %ne3A_583 = arith.constant 0 : i32
        %ne3A_584 = arith.cmpi ne, %rem3A_582, %ne3A_583 : i32
        %lt3A_585 = arith.constant 0 : i32
        %lt3A_586 = arith.cmpi slt, %rem3A_582, %lt3A_585 : i32
        %lt3A_587 = arith.constant 0 : i32
        %lt3A_588 = arith.cmpi slt, %select_n3A_581, %lt3A_587 : i32
        %ne3A_589 = arith.xori %lt3A_586, %lt3A_588 : i1
        %and3A_590 = arith.andi %ne3A_589, %ne3A_584 : i1
        %add3A_591 = arith.addi %rem3A_582, %select_n3A_581 : i32
        %select_n3A_592 = arith.select %and3A_590, %add3A_591, %rem3A_582 : i32
        %dma_start3A_593 = arith.constant 0 : i32
        %dma_start3A_594 = arith.constant 0 : i32
        %dma_start3A_595 = tpu.memref_slice %arg3[%add3A_576, %dma_start3A_593, %select_n3A_592, %dma_start3A_594] : memref<512x128x8x128xf32, #tpu.memory_space<hbm>> -> memref<1x128x1x128xf32, #tpu.memory_space<hbm>>
        %dma_start3A_596 = tpu.memref_squeeze %dma_start3A_595 : memref<1x128x1x128xf32, #tpu.memory_space<hbm>> -> memref<128x128xf32, #tpu.memory_space<hbm>>
        %dma_start3A_597 = arith.constant 0 : i32
        %dma_start3A_598 = arith.constant 0 : i32
        %dma_start3A_599 = tpu.memref_slice %arg3[%add3A_576, %dma_start3A_597, %select_n3A_592, %dma_start3A_598] : memref<512x128x8x128xf32, #tpu.memory_space<hbm>> -> memref<1x128x1x128xf32, #tpu.memory_space<hbm>>
        %dma_start3A_600 = tpu.memref_squeeze %dma_start3A_599 : memref<1x128x1x128xf32, #tpu.memory_space<hbm>> -> memref<128x128xf32, #tpu.memory_space<hbm>>
        tpu.enqueue_dma source(%dma_start3A_600 : memref<128x128xf32, #tpu.memory_space<hbm>>) target(%arg13 : memref<128x128xf32, #tpu.memory_space<vmem>>) target_semaphore(%arg21 : memref<!tpu.dma_semaphore, #tpu.memory_space<semaphore_mem>>)
      } else {
      }
      %mul3A_392 = arith.constant 4 : i32
      %mul3A_393 = arith.muli %scan3A_234, %mul3A_392 : i32
      %add3A_394 = arith.constant 2 : i32
      %add3A_395 = arith.addi %mul3A_393, %add3A_394 : i32
      %add3A_396 = arith.constant 0 : i32
      %add3A_397 = arith.addi %add3A_75, %add3A_396 : i32
      %dma_wait3A_398 = arith.constant 0 : i32
      %dma_wait3A_399 = arith.constant 0 : i32
      %dma_wait3A_400 = arith.constant 0 : i32
      %dma_wait3A_401 = tpu.memref_slice %arg3[%add3A_397, %dma_wait3A_399, %dma_wait3A_398, %dma_wait3A_400] : memref<512x128x8x128xf32, #tpu.memory_space<hbm>> -> memref<1x128x1x128xf32, #tpu.memory_space<hbm>>
      %dma_wait3A_402 = tpu.memref_squeeze %dma_wait3A_401 : memref<1x128x1x128xf32, #tpu.memory_space<hbm>> -> memref<128x128xf32, #tpu.memory_space<hbm>>
      %dma_wait3A_403 = arith.constant 0 : i32
      %dma_wait3A_404 = arith.constant 0 : i32
      %dma_wait3A_405 = tpu.memref_slice %arg3[%add3A_397, %dma_wait3A_403, %dma_wait3A_398, %dma_wait3A_404] : memref<512x128x8x128xf32, #tpu.memory_space<hbm>> -> memref<1x128x1x128xf32, #tpu.memory_space<hbm>>
      %dma_wait3A_406 = tpu.memref_squeeze %dma_wait3A_405 : memref<1x128x1x128xf32, #tpu.memory_space<hbm>> -> memref<128x128xf32, #tpu.memory_space<hbm>>
      tpu.wait_dma2 semaphore(%arg22 : memref<!tpu.dma_semaphore, #tpu.memory_space<semaphore_mem>>) src(%dma_wait3A_406 : memref<128x128xf32, #tpu.memory_space<hbm>>) dst(%arg14 : memref<128x128xf32, #tpu.memory_space<vmem>>)
      %gt3A_407 = arith.constant 0 : i32
      %gt3A_408 = arith.cmpi sgt, %scan3A_234, %gt3A_407 : i32
      %convert_element_type3A_409 = arith.extui %gt3A_408 : i1 to i32
      %cond3A_410 = arith.constant 0 : i32
      %cond3A_411 = arith.cmpi ne, %convert_element_type3A_409, %cond3A_410 : i32
      scf.if %cond3A_411 {
        %add3A_550 = arith.constant 0 : i32
        %add3A_551 = arith.addi %add3A_75, %add3A_550 : i32
        %dma_wait3A_552 = arith.constant 0 : i32
        %dma_wait3A_553 = arith.constant 0 : i32
        %dma_wait3A_554 = arith.constant 0 : i32
        %dma_wait3A_555 = tpu.memref_slice %arg6[%add3A_551, %dma_wait3A_553, %dma_wait3A_552, %dma_wait3A_554] : memref<512x32x8x128xf32, #tpu.memory_space<hbm>> -> memref<1x32x1x128xf32, #tpu.memory_space<hbm>>
        %dma_wait3A_556 = tpu.memref_squeeze %dma_wait3A_555 : memref<1x32x1x128xf32, #tpu.memory_space<hbm>> -> memref<32x128xf32, #tpu.memory_space<hbm>>
        %dma_wait3A_557 = arith.constant 0 : i32
        %dma_wait3A_558 = arith.constant 0 : i32
        %dma_wait3A_559 = tpu.memref_slice %arg6[%add3A_551, %dma_wait3A_557, %dma_wait3A_552, %dma_wait3A_558] : memref<512x32x8x128xf32, #tpu.memory_space<hbm>> -> memref<1x32x1x128xf32, #tpu.memory_space<hbm>>
        %dma_wait3A_560 = tpu.memref_squeeze %dma_wait3A_559 : memref<1x32x1x128xf32, #tpu.memory_space<hbm>> -> memref<32x128xf32, #tpu.memory_space<hbm>>
        tpu.wait_dma2 semaphore(%arg26 : memref<!tpu.dma_semaphore, #tpu.memory_space<semaphore_mem>>) src(%arg18 : memref<32x128xf32, #tpu.memory_space<vmem>>) dst(%dma_wait3A_560 : memref<32x128xf32, #tpu.memory_space<hbm>>)
      } else {
      }
      %parallel_loop3A_412 = arith.constant 0 : i32
      %parallel_loop3A_413 = arith.constant 256 : i32
      %parallel_loop3A_414 = arith.constant 1 : i32
      scf.for %parallel_loop3A_550 = %parallel_loop3A_412 to %parallel_loop3A_413 step %parallel_loop3A_414  : i32 {
        %parallel_loop3A_551 = arith.constant 8 : i32
        %parallel_loop3A_552 = arith.divsi %parallel_loop3A_550, %parallel_loop3A_551 : i32
        %parallel_loop3A_553 = arith.constant 0 : i32
        %parallel_loop3A_554 = arith.cmpi sgt, %parallel_loop3A_550, %parallel_loop3A_553 : i32
        %parallel_loop3A_555 = arith.extui %parallel_loop3A_554 : i1 to i32
        %parallel_loop3A_556 = arith.constant 0 : i32
        %parallel_loop3A_557 = arith.cmpi slt, %parallel_loop3A_550, %parallel_loop3A_556 : i32
        %parallel_loop3A_558 = arith.extui %parallel_loop3A_557 : i1 to i32
        %parallel_loop3A_559 = arith.subi %parallel_loop3A_555, %parallel_loop3A_558 : i32
        %parallel_loop3A_560 = arith.constant 0 : i32
        %parallel_loop3A_561 = arith.cmpi sgt, %parallel_loop3A_551, %parallel_loop3A_560 : i32
        %parallel_loop3A_562 = arith.extui %parallel_loop3A_561 : i1 to i32
        %parallel_loop3A_563 = arith.constant 0 : i32
        %parallel_loop3A_564 = arith.cmpi slt, %parallel_loop3A_551, %parallel_loop3A_563 : i32
        %parallel_loop3A_565 = arith.extui %parallel_loop3A_564 : i1 to i32
        %parallel_loop3A_566 = arith.subi %parallel_loop3A_562, %parallel_loop3A_565 : i32
        %parallel_loop3A_567 = arith.cmpi ne, %parallel_loop3A_559, %parallel_loop3A_566 : i32
        %parallel_loop3A_568 = arith.remsi %parallel_loop3A_550, %parallel_loop3A_551 : i32
        %parallel_loop3A_569 = arith.constant 0 : i32
        %parallel_loop3A_570 = arith.cmpi ne, %parallel_loop3A_568, %parallel_loop3A_569 : i32
        %parallel_loop3A_571 = arith.andi %parallel_loop3A_567, %parallel_loop3A_570 : i1
        %parallel_loop3A_572 = arith.constant 1 : i32
        %parallel_loop3A_573 = arith.subi %parallel_loop3A_552, %parallel_loop3A_572 : i32
        %parallel_loop3A_574 = arith.select %parallel_loop3A_571, %parallel_loop3A_573, %parallel_loop3A_552 : i32
        %parallel_loop3A_575 = arith.constant 8 : i32
        %parallel_loop3A_576 = arith.constant 0 : i32
        %parallel_loop3A_577 = arith.cmpi eq, %parallel_loop3A_575, %parallel_loop3A_576 : i32
        %parallel_loop3A_578 = arith.constant 1 : i32
        %parallel_loop3A_579 = arith.select %parallel_loop3A_577, %parallel_loop3A_578, %parallel_loop3A_575 : i32
        %parallel_loop3A_580 = arith.remsi %parallel_loop3A_550, %parallel_loop3A_579 : i32
        %parallel_loop3A_581 = arith.constant 0 : i32
        %parallel_loop3A_582 = arith.cmpi ne, %parallel_loop3A_580, %parallel_loop3A_581 : i32
        %parallel_loop3A_583 = arith.constant 0 : i32
        %parallel_loop3A_584 = arith.cmpi slt, %parallel_loop3A_580, %parallel_loop3A_583 : i32
        %parallel_loop3A_585 = arith.constant 0 : i32
        %parallel_loop3A_586 = arith.cmpi slt, %parallel_loop3A_579, %parallel_loop3A_585 : i32
        %parallel_loop3A_587 = arith.xori %parallel_loop3A_584, %parallel_loop3A_586 : i1
        %parallel_loop3A_588 = arith.andi %parallel_loop3A_587, %parallel_loop3A_582 : i1
        %parallel_loop3A_589 = arith.addi %parallel_loop3A_580, %parallel_loop3A_579 : i32
        %parallel_loop3A_590 = arith.select %parallel_loop3A_588, %parallel_loop3A_589, %parallel_loop3A_580 : i32
        %parallel_loop3A_591 = arith.constant 16 : i32
        %parallel_loop3A_592 = arith.muli %parallel_loop3A_590, %parallel_loop3A_591 : i32
        %parallel_loop3A_593 = arith.index_cast %parallel_loop3A_574 : i32 to index
        %parallel_loop3A_594 = arith.index_cast %parallel_loop3A_592 : i32 to index
        %parallel_loop3A_595 = tpu.vector_load %arg8[%parallel_loop3A_593, %parallel_loop3A_594] {strides = array<i32>} : memref<32x128xi32, #tpu.memory_space<vmem>>, vector<16xi32>,
        %parallel_loop3A_596 = arith.constant 7 : i32
        %parallel_loop3A_597 = vector.broadcast %parallel_loop3A_596 : i32 to vector<16xi32>
        %parallel_loop3A_598 = arith.shrsi %parallel_loop3A_595, %parallel_loop3A_597 : vector<16xi32>
        %parallel_loop3A_599 = arith.constant 127 : i32
        %parallel_loop3A_600 = vector.broadcast %parallel_loop3A_599 : i32 to vector<16xi32>
        %parallel_loop3A_601 = arith.andi %parallel_loop3A_595, %parallel_loop3A_600 : vector<16xi32>
        %parallel_loop3A_602 = tpu.vector_load_idx %arg14[%parallel_loop3A_598, %parallel_loop3A_601] : memref<128x128xf32, #tpu.memory_space<vmem>>[vector<16xi32>, vector<16xi32>], vector<16xf32>,
        %parallel_loop3A_603 = arith.constant 8 : i32
        %parallel_loop3A_604 = arith.divsi %parallel_loop3A_550, %parallel_loop3A_603 : i32
        %parallel_loop3A_605 = arith.constant 0 : i32
        %parallel_loop3A_606 = arith.cmpi sgt, %parallel_loop3A_550, %parallel_loop3A_605 : i32
        %parallel_loop3A_607 = arith.extui %parallel_loop3A_606 : i1 to i32
        %parallel_loop3A_608 = arith.constant 0 : i32
        %parallel_loop3A_609 = arith.cmpi slt, %parallel_loop3A_550, %parallel_loop3A_608 : i32
        %parallel_loop3A_610 = arith.extui %parallel_loop3A_609 : i1 to i32
        %parallel_loop3A_611 = arith.subi %parallel_loop3A_607, %parallel_loop3A_610 : i32
        %parallel_loop3A_612 = arith.constant 0 : i32
        %parallel_loop3A_613 = arith.cmpi sgt, %parallel_loop3A_603, %parallel_loop3A_612 : i32
        %parallel_loop3A_614 = arith.extui %parallel_loop3A_613 : i1 to i32
        %parallel_loop3A_615 = arith.constant 0 : i32
        %parallel_loop3A_616 = arith.cmpi slt, %parallel_loop3A_603, %parallel_loop3A_615 : i32
        %parallel_loop3A_617 = arith.extui %parallel_loop3A_616 : i1 to i32
        %parallel_loop3A_618 = arith.subi %parallel_loop3A_614, %parallel_loop3A_617 : i32
        %parallel_loop3A_619 = arith.cmpi ne, %parallel_loop3A_611, %parallel_loop3A_618 : i32
        %parallel_loop3A_620 = arith.remsi %parallel_loop3A_550, %parallel_loop3A_603 : i32
        %parallel_loop3A_621 = arith.constant 0 : i32
        %parallel_loop3A_622 = arith.cmpi ne, %parallel_loop3A_620, %parallel_loop3A_621 : i32
        %parallel_loop3A_623 = arith.andi %parallel_loop3A_619, %parallel_loop3A_622 : i1
        %parallel_loop3A_624 = arith.constant 1 : i32
        %parallel_loop3A_625 = arith.subi %parallel_loop3A_604, %parallel_loop3A_624 : i32
        %parallel_loop3A_626 = arith.select %parallel_loop3A_623, %parallel_loop3A_625, %parallel_loop3A_604 : i32
        %parallel_loop3A_627 = arith.constant 8 : i32
        %parallel_loop3A_628 = arith.constant 0 : i32
        %parallel_loop3A_629 = arith.cmpi eq, %parallel_loop3A_627, %parallel_loop3A_628 : i32
        %parallel_loop3A_630 = arith.constant 1 : i32
        %parallel_loop3A_631 = arith.select %parallel_loop3A_629, %parallel_loop3A_630, %parallel_loop3A_627 : i32
        %parallel_loop3A_632 = arith.remsi %parallel_loop3A_550, %parallel_loop3A_631 : i32
        %parallel_loop3A_633 = arith.constant 0 : i32
        %parallel_loop3A_634 = arith.cmpi ne, %parallel_loop3A_632, %parallel_loop3A_633 : i32
        %parallel_loop3A_635 = arith.constant 0 : i32
        %parallel_loop3A_636 = arith.cmpi slt, %parallel_loop3A_632, %parallel_loop3A_635 : i32
        %parallel_loop3A_637 = arith.constant 0 : i32
        %parallel_loop3A_638 = arith.cmpi slt, %parallel_loop3A_631, %parallel_loop3A_637 : i32
        %parallel_loop3A_639 = arith.xori %parallel_loop3A_636, %parallel_loop3A_638 : i1
        %parallel_loop3A_640 = arith.andi %parallel_loop3A_639, %parallel_loop3A_634 : i1
        %parallel_loop3A_641 = arith.addi %parallel_loop3A_632, %parallel_loop3A_631 : i32
        %parallel_loop3A_642 = arith.select %parallel_loop3A_640, %parallel_loop3A_641, %parallel_loop3A_632 : i32
        %parallel_loop3A_643 = arith.constant 16 : i32
        %parallel_loop3A_644 = arith.muli %parallel_loop3A_642, %parallel_loop3A_643 : i32
        %parallel_loop3A_645 = arith.index_cast %parallel_loop3A_626 : i32 to index
        %parallel_loop3A_646 = arith.index_cast %parallel_loop3A_644 : i32 to index
        %parallel_loop3A_647 = tpu.vector_load %arg18[%parallel_loop3A_645, %parallel_loop3A_646] {strides = array<i32>} : memref<32x128xf32, #tpu.memory_space<vmem>>, vector<16xf32>,
        tpu.vector_store %arg18[%parallel_loop3A_645, %parallel_loop3A_646], %parallel_loop3A_602 {strides = array<i32>} : memref<32x128xf32, #tpu.memory_space<vmem>>, vector<16xf32>,
      } {sc.loop_unroll_factor = 16 : i64, sc.parallel_access}
      %jit3A_415 = arith.constant 8 : i32
      %div3A_416 = arith.divsi %add3A_395, %jit3A_415 : i32
      %sign3A_417 = arith.constant 0 : i32
      %sign3A_418 = arith.cmpi sgt, %add3A_395, %sign3A_417 : i32
      %sign3A_419 = arith.extui %sign3A_418 : i1 to i32
      %sign3A_420 = arith.constant 0 : i32
      %sign3A_421 = arith.cmpi slt, %add3A_395, %sign3A_420 : i32
      %sign3A_422 = arith.extui %sign3A_421 : i1 to i32
      %sign3A_423 = arith.subi %sign3A_419, %sign3A_422 : i32
      %sign3A_424 = arith.constant 0 : i32
      %sign3A_425 = arith.cmpi sgt, %jit3A_415, %sign3A_424 : i32
      %sign3A_426 = arith.extui %sign3A_425 : i1 to i32
      %sign3A_427 = arith.constant 0 : i32
      %sign3A_428 = arith.cmpi slt, %jit3A_415, %sign3A_427 : i32
      %sign3A_429 = arith.extui %sign3A_428 : i1 to i32
      %sign3A_430 = arith.subi %sign3A_426, %sign3A_429 : i32
      %ne3A_431 = arith.cmpi ne, %sign3A_423, %sign3A_430 : i32
      %rem3A_432 = arith.remsi %add3A_395, %jit3A_415 : i32
      %ne3A_433 = arith.constant 0 : i32
      %ne3A_434 = arith.cmpi ne, %rem3A_432, %ne3A_433 : i32
      %and3A_435 = arith.andi %ne3A_431, %ne3A_434 : i1
      %sub3A_436 = arith.constant 1 : i32
      %sub3A_437 = arith.subi %div3A_416, %sub3A_436 : i32
      %select_n3A_438 = arith.select %and3A_435, %sub3A_437, %div3A_416 : i32
      %add3A_439 = arith.addi %add3A_75, %select_n3A_438 : i32
      %jit3A_440 = arith.constant 8 : i32
      %eq3A_441 = arith.constant 0 : i32
      %eq3A_442 = arith.cmpi eq, %jit3A_440, %eq3A_441 : i32
      %jit3A_443 = arith.constant 1 : i32
      %select_n3A_444 = arith.select %eq3A_442, %jit3A_443, %jit3A_440 : i32
      %rem3A_445 = arith.remsi %add3A_395, %select_n3A_444 : i32
      %ne3A_446 = arith.constant 0 : i32
      %ne3A_447 = arith.cmpi ne, %rem3A_445, %ne3A_446 : i32
      %lt3A_448 = arith.constant 0 : i32
      %lt3A_449 = arith.cmpi slt, %rem3A_445, %lt3A_448 : i32
      %lt3A_450 = arith.constant 0 : i32
      %lt3A_451 = arith.cmpi slt, %select_n3A_444, %lt3A_450 : i32
      %ne3A_452 = arith.xori %lt3A_449, %lt3A_451 : i1
      %and3A_453 = arith.andi %ne3A_452, %ne3A_447 : i1
      %add3A_454 = arith.addi %rem3A_445, %select_n3A_444 : i32
      %select_n3A_455 = arith.select %and3A_453, %add3A_454, %rem3A_445 : i32
      %dma_start3A_456 = arith.constant 0 : i32
      %dma_start3A_457 = arith.constant 0 : i32
      %dma_start3A_458 = tpu.memref_slice %arg6[%add3A_439, %dma_start3A_456, %select_n3A_455, %dma_start3A_457] : memref<512x32x8x128xf32, #tpu.memory_space<hbm>> -> memref<1x32x1x128xf32, #tpu.memory_space<hbm>>
      %dma_start3A_459 = tpu.memref_squeeze %dma_start3A_458 : memref<1x32x1x128xf32, #tpu.memory_space<hbm>> -> memref<32x128xf32, #tpu.memory_space<hbm>>
      %dma_start3A_460 = arith.constant 0 : i32
      %dma_start3A_461 = arith.constant 0 : i32
      %dma_start3A_462 = tpu.memref_slice %arg6[%add3A_439, %dma_start3A_460, %select_n3A_455, %dma_start3A_461] : memref<512x32x8x128xf32, #tpu.memory_space<hbm>> -> memref<1x32x1x128xf32, #tpu.memory_space<hbm>>
      %dma_start3A_463 = tpu.memref_squeeze %dma_start3A_462 : memref<1x32x1x128xf32, #tpu.memory_space<hbm>> -> memref<32x128xf32, #tpu.memory_space<hbm>>
      tpu.enqueue_dma source(%arg18 : memref<32x128xf32, #tpu.memory_space<vmem>>) target(%dma_start3A_463 : memref<32x128xf32, #tpu.memory_space<hbm>>) target_semaphore(%arg26 : memref<!tpu.dma_semaphore, #tpu.memory_space<semaphore_mem>>)
      %add3A_464 = arith.constant 4 : i32
      %add3A_465 = arith.addi %add3A_395, %add3A_464 : i32
      %lt3A_466 = arith.constant 128 : i32
      %lt3A_467 = arith.cmpi slt, %add3A_465, %lt3A_466 : i32
      %convert_element_type3A_468 = arith.extui %lt3A_467 : i1 to i32
      %cond3A_469 = arith.constant 0 : i32
      %cond3A_470 = arith.cmpi ne, %convert_element_type3A_468, %cond3A_469 : i32
      scf.if %cond3A_470 {
        %add3A_550 = arith.constant 4 : i32
        %add3A_551 = arith.addi %add3A_395, %add3A_550 : i32
        %jit3A_552 = arith.constant 8 : i32
        %div3A_553 = arith.divsi %add3A_551, %jit3A_552 : i32
        %sign3A_554 = arith.constant 0 : i32
        %sign3A_555 = arith.cmpi sgt, %add3A_551, %sign3A_554 : i32
        %sign3A_556 = arith.extui %sign3A_555 : i1 to i32
        %sign3A_557 = arith.constant 0 : i32
        %sign3A_558 = arith.cmpi slt, %add3A_551, %sign3A_557 : i32
        %sign3A_559 = arith.extui %sign3A_558 : i1 to i32
        %sign3A_560 = arith.subi %sign3A_556, %sign3A_559 : i32
        %sign3A_561 = arith.constant 0 : i32
        %sign3A_562 = arith.cmpi sgt, %jit3A_552, %sign3A_561 : i32
        %sign3A_563 = arith.extui %sign3A_562 : i1 to i32
        %sign3A_564 = arith.constant 0 : i32
        %sign3A_565 = arith.cmpi slt, %jit3A_552, %sign3A_564 : i32
        %sign3A_566 = arith.extui %sign3A_565 : i1 to i32
        %sign3A_567 = arith.subi %sign3A_563, %sign3A_566 : i32
        %ne3A_568 = arith.cmpi ne, %sign3A_560, %sign3A_567 : i32
        %rem3A_569 = arith.remsi %add3A_551, %jit3A_552 : i32
        %ne3A_570 = arith.constant 0 : i32
        %ne3A_571 = arith.cmpi ne, %rem3A_569, %ne3A_570 : i32
        %and3A_572 = arith.andi %ne3A_568, %ne3A_571 : i1
        %sub3A_573 = arith.constant 1 : i32
        %sub3A_574 = arith.subi %div3A_553, %sub3A_573 : i32
        %select_n3A_575 = arith.select %and3A_572, %sub3A_574, %div3A_553 : i32
        %add3A_576 = arith.addi %add3A_75, %select_n3A_575 : i32
        %jit3A_577 = arith.constant 8 : i32
        %eq3A_578 = arith.constant 0 : i32
        %eq3A_579 = arith.cmpi eq, %jit3A_577, %eq3A_578 : i32
        %jit3A_580 = arith.constant 1 : i32
        %select_n3A_581 = arith.select %eq3A_579, %jit3A_580, %jit3A_577 : i32
        %rem3A_582 = arith.remsi %add3A_551, %select_n3A_581 : i32
        %ne3A_583 = arith.constant 0 : i32
        %ne3A_584 = arith.cmpi ne, %rem3A_582, %ne3A_583 : i32
        %lt3A_585 = arith.constant 0 : i32
        %lt3A_586 = arith.cmpi slt, %rem3A_582, %lt3A_585 : i32
        %lt3A_587 = arith.constant 0 : i32
        %lt3A_588 = arith.cmpi slt, %select_n3A_581, %lt3A_587 : i32
        %ne3A_589 = arith.xori %lt3A_586, %lt3A_588 : i1
        %and3A_590 = arith.andi %ne3A_589, %ne3A_584 : i1
        %add3A_591 = arith.addi %rem3A_582, %select_n3A_581 : i32
        %select_n3A_592 = arith.select %and3A_590, %add3A_591, %rem3A_582 : i32
        %dma_start3A_593 = arith.constant 0 : i32
        %dma_start3A_594 = arith.constant 0 : i32
        %dma_start3A_595 = tpu.memref_slice %arg3[%add3A_576, %dma_start3A_593, %select_n3A_592, %dma_start3A_594] : memref<512x128x8x128xf32, #tpu.memory_space<hbm>> -> memref<1x128x1x128xf32, #tpu.memory_space<hbm>>
        %dma_start3A_596 = tpu.memref_squeeze %dma_start3A_595 : memref<1x128x1x128xf32, #tpu.memory_space<hbm>> -> memref<128x128xf32, #tpu.memory_space<hbm>>
        %dma_start3A_597 = arith.constant 0 : i32
        %dma_start3A_598 = arith.constant 0 : i32
        %dma_start3A_599 = tpu.memref_slice %arg3[%add3A_576, %dma_start3A_597, %select_n3A_592, %dma_start3A_598] : memref<512x128x8x128xf32, #tpu.memory_space<hbm>> -> memref<1x128x1x128xf32, #tpu.memory_space<hbm>>
        %dma_start3A_600 = tpu.memref_squeeze %dma_start3A_599 : memref<1x128x1x128xf32, #tpu.memory_space<hbm>> -> memref<128x128xf32, #tpu.memory_space<hbm>>
        tpu.enqueue_dma source(%dma_start3A_600 : memref<128x128xf32, #tpu.memory_space<hbm>>) target(%arg14 : memref<128x128xf32, #tpu.memory_space<vmem>>) target_semaphore(%arg22 : memref<!tpu.dma_semaphore, #tpu.memory_space<semaphore_mem>>)
      } else {
      }
      %mul3A_471 = arith.constant 4 : i32
      %mul3A_472 = arith.muli %scan3A_234, %mul3A_471 : i32
      %add3A_473 = arith.constant 3 : i32
      %add3A_474 = arith.addi %mul3A_472, %add3A_473 : i32
      %add3A_475 = arith.constant 0 : i32
      %add3A_476 = arith.addi %add3A_75, %add3A_475 : i32
      %dma_wait3A_477 = arith.constant 0 : i32
      %dma_wait3A_478 = arith.constant 0 : i32
      %dma_wait3A_479 = arith.constant 0 : i32
      %dma_wait3A_480 = tpu.memref_slice %arg3[%add3A_476, %dma_wait3A_478, %dma_wait3A_477, %dma_wait3A_479] : memref<512x128x8x128xf32, #tpu.memory_space<hbm>> -> memref<1x128x1x128xf32, #tpu.memory_space<hbm>>
      %dma_wait3A_481 = tpu.memref_squeeze %dma_wait3A_480 : memref<1x128x1x128xf32, #tpu.memory_space<hbm>> -> memref<128x128xf32, #tpu.memory_space<hbm>>
      %dma_wait3A_482 = arith.constant 0 : i32
      %dma_wait3A_483 = arith.constant 0 : i32
      %dma_wait3A_484 = tpu.memref_slice %arg3[%add3A_476, %dma_wait3A_482, %dma_wait3A_477, %dma_wait3A_483] : memref<512x128x8x128xf32, #tpu.memory_space<hbm>> -> memref<1x128x1x128xf32, #tpu.memory_space<hbm>>
      %dma_wait3A_485 = tpu.memref_squeeze %dma_wait3A_484 : memref<1x128x1x128xf32, #tpu.memory_space<hbm>> -> memref<128x128xf32, #tpu.memory_space<hbm>>
      tpu.wait_dma2 semaphore(%arg23 : memref<!tpu.dma_semaphore, #tpu.memory_space<semaphore_mem>>) src(%dma_wait3A_485 : memref<128x128xf32, #tpu.memory_space<hbm>>) dst(%arg15 : memref<128x128xf32, #tpu.memory_space<vmem>>)
      %gt3A_486 = arith.constant 0 : i32
      %gt3A_487 = arith.cmpi sgt, %scan3A_234, %gt3A_486 : i32
      %convert_element_type3A_488 = arith.extui %gt3A_487 : i1 to i32
      %cond3A_489 = arith.constant 0 : i32
      %cond3A_490 = arith.cmpi ne, %convert_element_type3A_488, %cond3A_489 : i32
      scf.if %cond3A_490 {
        %add3A_550 = arith.constant 0 : i32
        %add3A_551 = arith.addi %add3A_75, %add3A_550 : i32
        %dma_wait3A_552 = arith.constant 0 : i32
        %dma_wait3A_553 = arith.constant 0 : i32
        %dma_wait3A_554 = arith.constant 0 : i32
        %dma_wait3A_555 = tpu.memref_slice %arg6[%add3A_551, %dma_wait3A_553, %dma_wait3A_552, %dma_wait3A_554] : memref<512x32x8x128xf32, #tpu.memory_space<hbm>> -> memref<1x32x1x128xf32, #tpu.memory_space<hbm>>
        %dma_wait3A_556 = tpu.memref_squeeze %dma_wait3A_555 : memref<1x32x1x128xf32, #tpu.memory_space<hbm>> -> memref<32x128xf32, #tpu.memory_space<hbm>>
        %dma_wait3A_557 = arith.constant 0 : i32
        %dma_wait3A_558 = arith.constant 0 : i32
        %dma_wait3A_559 = tpu.memref_slice %arg6[%add3A_551, %dma_wait3A_557, %dma_wait3A_552, %dma_wait3A_558] : memref<512x32x8x128xf32, #tpu.memory_space<hbm>> -> memref<1x32x1x128xf32, #tpu.memory_space<hbm>>
        %dma_wait3A_560 = tpu.memref_squeeze %dma_wait3A_559 : memref<1x32x1x128xf32, #tpu.memory_space<hbm>> -> memref<32x128xf32, #tpu.memory_space<hbm>>
        tpu.wait_dma2 semaphore(%arg27 : memref<!tpu.dma_semaphore, #tpu.memory_space<semaphore_mem>>) src(%arg19 : memref<32x128xf32, #tpu.memory_space<vmem>>) dst(%dma_wait3A_560 : memref<32x128xf32, #tpu.memory_space<hbm>>)
      } else {
      }
      %parallel_loop3A_491 = arith.constant 0 : i32
      %parallel_loop3A_492 = arith.constant 256 : i32
      %parallel_loop3A_493 = arith.constant 1 : i32
      scf.for %parallel_loop3A_550 = %parallel_loop3A_491 to %parallel_loop3A_492 step %parallel_loop3A_493  : i32 {
        %parallel_loop3A_551 = arith.constant 8 : i32
        %parallel_loop3A_552 = arith.divsi %parallel_loop3A_550, %parallel_loop3A_551 : i32
        %parallel_loop3A_553 = arith.constant 0 : i32
        %parallel_loop3A_554 = arith.cmpi sgt, %parallel_loop3A_550, %parallel_loop3A_553 : i32
        %parallel_loop3A_555 = arith.extui %parallel_loop3A_554 : i1 to i32
        %parallel_loop3A_556 = arith.constant 0 : i32
        %parallel_loop3A_557 = arith.cmpi slt, %parallel_loop3A_550, %parallel_loop3A_556 : i32
        %parallel_loop3A_558 = arith.extui %parallel_loop3A_557 : i1 to i32
        %parallel_loop3A_559 = arith.subi %parallel_loop3A_555, %parallel_loop3A_558 : i32
        %parallel_loop3A_560 = arith.constant 0 : i32
        %parallel_loop3A_561 = arith.cmpi sgt, %parallel_loop3A_551, %parallel_loop3A_560 : i32
        %parallel_loop3A_562 = arith.extui %parallel_loop3A_561 : i1 to i32
        %parallel_loop3A_563 = arith.constant 0 : i32
        %parallel_loop3A_564 = arith.cmpi slt, %parallel_loop3A_551, %parallel_loop3A_563 : i32
        %parallel_loop3A_565 = arith.extui %parallel_loop3A_564 : i1 to i32
        %parallel_loop3A_566 = arith.subi %parallel_loop3A_562, %parallel_loop3A_565 : i32
        %parallel_loop3A_567 = arith.cmpi ne, %parallel_loop3A_559, %parallel_loop3A_566 : i32
        %parallel_loop3A_568 = arith.remsi %parallel_loop3A_550, %parallel_loop3A_551 : i32
        %parallel_loop3A_569 = arith.constant 0 : i32
        %parallel_loop3A_570 = arith.cmpi ne, %parallel_loop3A_568, %parallel_loop3A_569 : i32
        %parallel_loop3A_571 = arith.andi %parallel_loop3A_567, %parallel_loop3A_570 : i1
        %parallel_loop3A_572 = arith.constant 1 : i32
        %parallel_loop3A_573 = arith.subi %parallel_loop3A_552, %parallel_loop3A_572 : i32
        %parallel_loop3A_574 = arith.select %parallel_loop3A_571, %parallel_loop3A_573, %parallel_loop3A_552 : i32
        %parallel_loop3A_575 = arith.constant 8 : i32
        %parallel_loop3A_576 = arith.constant 0 : i32
        %parallel_loop3A_577 = arith.cmpi eq, %parallel_loop3A_575, %parallel_loop3A_576 : i32
        %parallel_loop3A_578 = arith.constant 1 : i32
        %parallel_loop3A_579 = arith.select %parallel_loop3A_577, %parallel_loop3A_578, %parallel_loop3A_575 : i32
        %parallel_loop3A_580 = arith.remsi %parallel_loop3A_550, %parallel_loop3A_579 : i32
        %parallel_loop3A_581 = arith.constant 0 : i32
        %parallel_loop3A_582 = arith.cmpi ne, %parallel_loop3A_580, %parallel_loop3A_581 : i32
        %parallel_loop3A_583 = arith.constant 0 : i32
        %parallel_loop3A_584 = arith.cmpi slt, %parallel_loop3A_580, %parallel_loop3A_583 : i32
        %parallel_loop3A_585 = arith.constant 0 : i32
        %parallel_loop3A_586 = arith.cmpi slt, %parallel_loop3A_579, %parallel_loop3A_585 : i32
        %parallel_loop3A_587 = arith.xori %parallel_loop3A_584, %parallel_loop3A_586 : i1
        %parallel_loop3A_588 = arith.andi %parallel_loop3A_587, %parallel_loop3A_582 : i1
        %parallel_loop3A_589 = arith.addi %parallel_loop3A_580, %parallel_loop3A_579 : i32
        %parallel_loop3A_590 = arith.select %parallel_loop3A_588, %parallel_loop3A_589, %parallel_loop3A_580 : i32
        %parallel_loop3A_591 = arith.constant 16 : i32
        %parallel_loop3A_592 = arith.muli %parallel_loop3A_590, %parallel_loop3A_591 : i32
        %parallel_loop3A_593 = arith.index_cast %parallel_loop3A_574 : i32 to index
        %parallel_loop3A_594 = arith.index_cast %parallel_loop3A_592 : i32 to index
        %parallel_loop3A_595 = tpu.vector_load %arg8[%parallel_loop3A_593, %parallel_loop3A_594] {strides = array<i32>} : memref<32x128xi32, #tpu.memory_space<vmem>>, vector<16xi32>,
        %parallel_loop3A_596 = arith.constant 7 : i32
        %parallel_loop3A_597 = vector.broadcast %parallel_loop3A_596 : i32 to vector<16xi32>
        %parallel_loop3A_598 = arith.shrsi %parallel_loop3A_595, %parallel_loop3A_597 : vector<16xi32>
        %parallel_loop3A_599 = arith.constant 127 : i32
        %parallel_loop3A_600 = vector.broadcast %parallel_loop3A_599 : i32 to vector<16xi32>
        %parallel_loop3A_601 = arith.andi %parallel_loop3A_595, %parallel_loop3A_600 : vector<16xi32>
        %parallel_loop3A_602 = tpu.vector_load_idx %arg15[%parallel_loop3A_598, %parallel_loop3A_601] : memref<128x128xf32, #tpu.memory_space<vmem>>[vector<16xi32>, vector<16xi32>], vector<16xf32>,
        %parallel_loop3A_603 = arith.constant 8 : i32
        %parallel_loop3A_604 = arith.divsi %parallel_loop3A_550, %parallel_loop3A_603 : i32
        %parallel_loop3A_605 = arith.constant 0 : i32
        %parallel_loop3A_606 = arith.cmpi sgt, %parallel_loop3A_550, %parallel_loop3A_605 : i32
        %parallel_loop3A_607 = arith.extui %parallel_loop3A_606 : i1 to i32
        %parallel_loop3A_608 = arith.constant 0 : i32
        %parallel_loop3A_609 = arith.cmpi slt, %parallel_loop3A_550, %parallel_loop3A_608 : i32
        %parallel_loop3A_610 = arith.extui %parallel_loop3A_609 : i1 to i32
        %parallel_loop3A_611 = arith.subi %parallel_loop3A_607, %parallel_loop3A_610 : i32
        %parallel_loop3A_612 = arith.constant 0 : i32
        %parallel_loop3A_613 = arith.cmpi sgt, %parallel_loop3A_603, %parallel_loop3A_612 : i32
        %parallel_loop3A_614 = arith.extui %parallel_loop3A_613 : i1 to i32
        %parallel_loop3A_615 = arith.constant 0 : i32
        %parallel_loop3A_616 = arith.cmpi slt, %parallel_loop3A_603, %parallel_loop3A_615 : i32
        %parallel_loop3A_617 = arith.extui %parallel_loop3A_616 : i1 to i32
        %parallel_loop3A_618 = arith.subi %parallel_loop3A_614, %parallel_loop3A_617 : i32
        %parallel_loop3A_619 = arith.cmpi ne, %parallel_loop3A_611, %parallel_loop3A_618 : i32
        %parallel_loop3A_620 = arith.remsi %parallel_loop3A_550, %parallel_loop3A_603 : i32
        %parallel_loop3A_621 = arith.constant 0 : i32
        %parallel_loop3A_622 = arith.cmpi ne, %parallel_loop3A_620, %parallel_loop3A_621 : i32
        %parallel_loop3A_623 = arith.andi %parallel_loop3A_619, %parallel_loop3A_622 : i1
        %parallel_loop3A_624 = arith.constant 1 : i32
        %parallel_loop3A_625 = arith.subi %parallel_loop3A_604, %parallel_loop3A_624 : i32
        %parallel_loop3A_626 = arith.select %parallel_loop3A_623, %parallel_loop3A_625, %parallel_loop3A_604 : i32
        %parallel_loop3A_627 = arith.constant 8 : i32
        %parallel_loop3A_628 = arith.constant 0 : i32
        %parallel_loop3A_629 = arith.cmpi eq, %parallel_loop3A_627, %parallel_loop3A_628 : i32
        %parallel_loop3A_630 = arith.constant 1 : i32
        %parallel_loop3A_631 = arith.select %parallel_loop3A_629, %parallel_loop3A_630, %parallel_loop3A_627 : i32
        %parallel_loop3A_632 = arith.remsi %parallel_loop3A_550, %parallel_loop3A_631 : i32
        %parallel_loop3A_633 = arith.constant 0 : i32
        %parallel_loop3A_634 = arith.cmpi ne, %parallel_loop3A_632, %parallel_loop3A_633 : i32
        %parallel_loop3A_635 = arith.constant 0 : i32
        %parallel_loop3A_636 = arith.cmpi slt, %parallel_loop3A_632, %parallel_loop3A_635 : i32
        %parallel_loop3A_637 = arith.constant 0 : i32
        %parallel_loop3A_638 = arith.cmpi slt, %parallel_loop3A_631, %parallel_loop3A_637 : i32
        %parallel_loop3A_639 = arith.xori %parallel_loop3A_636, %parallel_loop3A_638 : i1
        %parallel_loop3A_640 = arith.andi %parallel_loop3A_639, %parallel_loop3A_634 : i1
        %parallel_loop3A_641 = arith.addi %parallel_loop3A_632, %parallel_loop3A_631 : i32
        %parallel_loop3A_642 = arith.select %parallel_loop3A_640, %parallel_loop3A_641, %parallel_loop3A_632 : i32
        %parallel_loop3A_643 = arith.constant 16 : i32
        %parallel_loop3A_644 = arith.muli %parallel_loop3A_642, %parallel_loop3A_643 : i32
        %parallel_loop3A_645 = arith.index_cast %parallel_loop3A_626 : i32 to index
        %parallel_loop3A_646 = arith.index_cast %parallel_loop3A_644 : i32 to index
        %parallel_loop3A_647 = tpu.vector_load %arg19[%parallel_loop3A_645, %parallel_loop3A_646] {strides = array<i32>} : memref<32x128xf32, #tpu.memory_space<vmem>>, vector<16xf32>,
        tpu.vector_store %arg19[%parallel_loop3A_645, %parallel_loop3A_646], %parallel_loop3A_602 {strides = array<i32>} : memref<32x128xf32, #tpu.memory_space<vmem>>, vector<16xf32>,
      } {sc.loop_unroll_factor = 16 : i64, sc.parallel_access}
      %jit3A_494 = arith.constant 8 : i32
      %div3A_495 = arith.divsi %add3A_474, %jit3A_494 : i32
      %sign3A_496 = arith.constant 0 : i32
      %sign3A_497 = arith.cmpi sgt, %add3A_474, %sign3A_496 : i32
      %sign3A_498 = arith.extui %sign3A_497 : i1 to i32
      %sign3A_499 = arith.constant 0 : i32
      %sign3A_500 = arith.cmpi slt, %add3A_474, %sign3A_499 : i32
      %sign3A_501 = arith.extui %sign3A_500 : i1 to i32
      %sign3A_502 = arith.subi %sign3A_498, %sign3A_501 : i32
      %sign3A_503 = arith.constant 0 : i32
      %sign3A_504 = arith.cmpi sgt, %jit3A_494, %sign3A_503 : i32
      %sign3A_505 = arith.extui %sign3A_504 : i1 to i32
      %sign3A_506 = arith.constant 0 : i32
      %sign3A_507 = arith.cmpi slt, %jit3A_494, %sign3A_506 : i32
      %sign3A_508 = arith.extui %sign3A_507 : i1 to i32
      %sign3A_509 = arith.subi %sign3A_505, %sign3A_508 : i32
      %ne3A_510 = arith.cmpi ne, %sign3A_502, %sign3A_509 : i32
      %rem3A_511 = arith.remsi %add3A_474, %jit3A_494 : i32
      %ne3A_512 = arith.constant 0 : i32
      %ne3A_513 = arith.cmpi ne, %rem3A_511, %ne3A_512 : i32
      %and3A_514 = arith.andi %ne3A_510, %ne3A_513 : i1
      %sub3A_515 = arith.constant 1 : i32
      %sub3A_516 = arith.subi %div3A_495, %sub3A_515 : i32
      %select_n3A_517 = arith.select %and3A_514, %sub3A_516, %div3A_495 : i32
      %add3A_518 = arith.addi %add3A_75, %select_n3A_517 : i32
      %jit3A_519 = arith.constant 8 : i32
      %eq3A_520 = arith.constant 0 : i32
      %eq3A_521 = arith.cmpi eq, %jit3A_519, %eq3A_520 : i32
      %jit3A_522 = arith.constant 1 : i32
      %select_n3A_523 = arith.select %eq3A_521, %jit3A_522, %jit3A_519 : i32
      %rem3A_524 = arith.remsi %add3A_474, %select_n3A_523 : i32
      %ne3A_525 = arith.constant 0 : i32
      %ne3A_526 = arith.cmpi ne, %rem3A_524, %ne3A_525 : i32
      %lt3A_527 = arith.constant 0 : i32
      %lt3A_528 = arith.cmpi slt, %rem3A_524, %lt3A_527 : i32
      %lt3A_529 = arith.constant 0 : i32
      %lt3A_530 = arith.cmpi slt, %select_n3A_523, %lt3A_529 : i32
      %ne3A_531 = arith.xori %lt3A_528, %lt3A_530 : i1
      %and3A_532 = arith.andi %ne3A_531, %ne3A_526 : i1
      %add3A_533 = arith.addi %rem3A_524, %select_n3A_523 : i32
      %select_n3A_534 = arith.select %and3A_532, %add3A_533, %rem3A_524 : i32
      %dma_start3A_535 = arith.constant 0 : i32
      %dma_start3A_536 = arith.constant 0 : i32
      %dma_start3A_537 = tpu.memref_slice %arg6[%add3A_518, %dma_start3A_535, %select_n3A_534, %dma_start3A_536] : memref<512x32x8x128xf32, #tpu.memory_space<hbm>> -> memref<1x32x1x128xf32, #tpu.memory_space<hbm>>
      %dma_start3A_538 = tpu.memref_squeeze %dma_start3A_537 : memref<1x32x1x128xf32, #tpu.memory_space<hbm>> -> memref<32x128xf32, #tpu.memory_space<hbm>>
      %dma_start3A_539 = arith.constant 0 : i32
      %dma_start3A_540 = arith.constant 0 : i32
      %dma_start3A_541 = tpu.memref_slice %arg6[%add3A_518, %dma_start3A_539, %select_n3A_534, %dma_start3A_540] : memref<512x32x8x128xf32, #tpu.memory_space<hbm>> -> memref<1x32x1x128xf32, #tpu.memory_space<hbm>>
      %dma_start3A_542 = tpu.memref_squeeze %dma_start3A_541 : memref<1x32x1x128xf32, #tpu.memory_space<hbm>> -> memref<32x128xf32, #tpu.memory_space<hbm>>
      tpu.enqueue_dma source(%arg19 : memref<32x128xf32, #tpu.memory_space<vmem>>) target(%dma_start3A_542 : memref<32x128xf32, #tpu.memory_space<hbm>>) target_semaphore(%arg27 : memref<!tpu.dma_semaphore, #tpu.memory_space<semaphore_mem>>)
      %add3A_543 = arith.constant 4 : i32
      %add3A_544 = arith.addi %add3A_474, %add3A_543 : i32
      %lt3A_545 = arith.constant 128 : i32
      %lt3A_546 = arith.cmpi slt, %add3A_544, %lt3A_545 : i32
      %convert_element_type3A_547 = arith.extui %lt3A_546 : i1 to i32
      %cond3A_548 = arith.constant 0 : i32
      %cond3A_549 = arith.cmpi ne, %convert_element_type3A_547, %cond3A_548 : i32
      scf.if %cond3A_549 {
        %add3A_550 = arith.constant 4 : i32
        %add3A_551 = arith.addi %add3A_474, %add3A_550 : i32
        %jit3A_552 = arith.constant 8 : i32
        %div3A_553 = arith.divsi %add3A_551, %jit3A_552 : i32
        %sign3A_554 = arith.constant 0 : i32
        %sign3A_555 = arith.cmpi sgt, %add3A_551, %sign3A_554 : i32
        %sign3A_556 = arith.extui %sign3A_555 : i1 to i32
        %sign3A_557 = arith.constant 0 : i32
        %sign3A_558 = arith.cmpi slt, %add3A_551, %sign3A_557 : i32
        %sign3A_559 = arith.extui %sign3A_558 : i1 to i32
        %sign3A_560 = arith.subi %sign3A_556, %sign3A_559 : i32
        %sign3A_561 = arith.constant 0 : i32
        %sign3A_562 = arith.cmpi sgt, %jit3A_552, %sign3A_561 : i32
        %sign3A_563 = arith.extui %sign3A_562 : i1 to i32
        %sign3A_564 = arith.constant 0 : i32
        %sign3A_565 = arith.cmpi slt, %jit3A_552, %sign3A_564 : i32
        %sign3A_566 = arith.extui %sign3A_565 : i1 to i32
        %sign3A_567 = arith.subi %sign3A_563, %sign3A_566 : i32
        %ne3A_568 = arith.cmpi ne, %sign3A_560, %sign3A_567 : i32
        %rem3A_569 = arith.remsi %add3A_551, %jit3A_552 : i32
        %ne3A_570 = arith.constant 0 : i32
        %ne3A_571 = arith.cmpi ne, %rem3A_569, %ne3A_570 : i32
        %and3A_572 = arith.andi %ne3A_568, %ne3A_571 : i1
        %sub3A_573 = arith.constant 1 : i32
        %sub3A_574 = arith.subi %div3A_553, %sub3A_573 : i32
        %select_n3A_575 = arith.select %and3A_572, %sub3A_574, %div3A_553 : i32
        %add3A_576 = arith.addi %add3A_75, %select_n3A_575 : i32
        %jit3A_577 = arith.constant 8 : i32
        %eq3A_578 = arith.constant 0 : i32
        %eq3A_579 = arith.cmpi eq, %jit3A_577, %eq3A_578 : i32
        %jit3A_580 = arith.constant 1 : i32
        %select_n3A_581 = arith.select %eq3A_579, %jit3A_580, %jit3A_577 : i32
        %rem3A_582 = arith.remsi %add3A_551, %select_n3A_581 : i32
        %ne3A_583 = arith.constant 0 : i32
        %ne3A_584 = arith.cmpi ne, %rem3A_582, %ne3A_583 : i32
        %lt3A_585 = arith.constant 0 : i32
        %lt3A_586 = arith.cmpi slt, %rem3A_582, %lt3A_585 : i32
        %lt3A_587 = arith.constant 0 : i32
        %lt3A_588 = arith.cmpi slt, %select_n3A_581, %lt3A_587 : i32
        %ne3A_589 = arith.xori %lt3A_586, %lt3A_588 : i1
        %and3A_590 = arith.andi %ne3A_589, %ne3A_584 : i1
        %add3A_591 = arith.addi %rem3A_582, %select_n3A_581 : i32
        %select_n3A_592 = arith.select %and3A_590, %add3A_591, %rem3A_582 : i32
        %dma_start3A_593 = arith.constant 0 : i32
        %dma_start3A_594 = arith.constant 0 : i32
        %dma_start3A_595 = tpu.memref_slice %arg3[%add3A_576, %dma_start3A_593, %select_n3A_592, %dma_start3A_594] : memref<512x128x8x128xf32, #tpu.memory_space<hbm>> -> memref<1x128x1x128xf32, #tpu.memory_space<hbm>>
        %dma_start3A_596 = tpu.memref_squeeze %dma_start3A_595 : memref<1x128x1x128xf32, #tpu.memory_space<hbm>> -> memref<128x128xf32, #tpu.memory_space<hbm>>
        %dma_start3A_597 = arith.constant 0 : i32
        %dma_start3A_598 = arith.constant 0 : i32
        %dma_start3A_599 = tpu.memref_slice %arg3[%add3A_576, %dma_start3A_597, %select_n3A_592, %dma_start3A_598] : memref<512x128x8x128xf32, #tpu.memory_space<hbm>> -> memref<1x128x1x128xf32, #tpu.memory_space<hbm>>
        %dma_start3A_600 = tpu.memref_squeeze %dma_start3A_599 : memref<1x128x1x128xf32, #tpu.memory_space<hbm>> -> memref<128x128xf32, #tpu.memory_space<hbm>>
        tpu.enqueue_dma source(%dma_start3A_600 : memref<128x128xf32, #tpu.memory_space<hbm>>) target(%arg15 : memref<128x128xf32, #tpu.memory_space<vmem>>) target_semaphore(%arg23 : memref<!tpu.dma_semaphore, #tpu.memory_space<semaphore_mem>>)
      } else {
      }
    }
    %scan3A_189 = arith.constant 32 : i32
    %add3A_190 = arith.constant 0 : i32
    %add3A_191 = arith.addi %add3A_75, %add3A_190 : i32
    %dma_wait3A_192 = arith.constant 0 : i32
    %dma_wait3A_193 = arith.constant 0 : i32
    %dma_wait3A_194 = arith.constant 0 : i32
    %dma_wait3A_195 = tpu.memref_slice %arg6[%add3A_191, %dma_wait3A_193, %dma_wait3A_192, %dma_wait3A_194] : memref<512x32x8x128xf32, #tpu.memory_space<hbm>> -> memref<1x32x1x128xf32, #tpu.memory_space<hbm>>
    %dma_wait3A_196 = tpu.memref_squeeze %dma_wait3A_195 : memref<1x32x1x128xf32, #tpu.memory_space<hbm>> -> memref<32x128xf32, #tpu.memory_space<hbm>>
    %dma_wait3A_197 = arith.constant 0 : i32
    %dma_wait3A_198 = arith.constant 0 : i32
    %dma_wait3A_199 = tpu.memref_slice %arg6[%add3A_191, %dma_wait3A_197, %dma_wait3A_192, %dma_wait3A_198] : memref<512x32x8x128xf32, #tpu.memory_space<hbm>> -> memref<1x32x1x128xf32, #tpu.memory_space<hbm>>
    %dma_wait3A_200 = tpu.memref_squeeze %dma_wait3A_199 : memref<1x32x1x128xf32, #tpu.memory_space<hbm>> -> memref<32x128xf32, #tpu.memory_space<hbm>>
    tpu.wait_dma2 semaphore(%arg24 : memref<!tpu.dma_semaphore, #tpu.memory_space<semaphore_mem>>) src(%arg16 : memref<32x128xf32, #tpu.memory_space<vmem>>) dst(%dma_wait3A_200 : memref<32x128xf32, #tpu.memory_space<hbm>>)
    %add3A_201 = arith.constant 0 : i32
    %add3A_202 = arith.addi %add3A_75, %add3A_201 : i32
    %dma_wait3A_203 = arith.constant 0 : i32
    %dma_wait3A_204 = arith.constant 0 : i32
    %dma_wait3A_205 = arith.constant 0 : i32
    %dma_wait3A_206 = tpu.memref_slice %arg6[%add3A_202, %dma_wait3A_204, %dma_wait3A_203, %dma_wait3A_205] : memref<512x32x8x128xf32, #tpu.memory_space<hbm>> -> memref<1x32x1x128xf32, #tpu.memory_space<hbm>>
    %dma_wait3A_207 = tpu.memref_squeeze %dma_wait3A_206 : memref<1x32x1x128xf32, #tpu.memory_space<hbm>> -> memref<32x128xf32, #tpu.memory_space<hbm>>
    %dma_wait3A_208 = arith.constant 0 : i32
    %dma_wait3A_209 = arith.constant 0 : i32
    %dma_wait3A_210 = tpu.memref_slice %arg6[%add3A_202, %dma_wait3A_208, %dma_wait3A_203, %dma_wait3A_209] : memref<512x32x8x128xf32, #tpu.memory_space<hbm>> -> memref<1x32x1x128xf32, #tpu.memory_space<hbm>>
    %dma_wait3A_211 = tpu.memref_squeeze %dma_wait3A_210 : memref<1x32x1x128xf32, #tpu.memory_space<hbm>> -> memref<32x128xf32, #tpu.memory_space<hbm>>
    tpu.wait_dma2 semaphore(%arg25 : memref<!tpu.dma_semaphore, #tpu.memory_space<semaphore_mem>>) src(%arg17 : memref<32x128xf32, #tpu.memory_space<vmem>>) dst(%dma_wait3A_211 : memref<32x128xf32, #tpu.memory_space<hbm>>)
    %add3A_212 = arith.constant 0 : i32
    %add3A_213 = arith.addi %add3A_75, %add3A_212 : i32
    %dma_wait3A_214 = arith.constant 0 : i32
    %dma_wait3A_215 = arith.constant 0 : i32
    %dma_wait3A_216 = arith.constant 0 : i32
    %dma_wait3A_217 = tpu.memref_slice %arg6[%add3A_213, %dma_wait3A_215, %dma_wait3A_214, %dma_wait3A_216] : memref<512x32x8x128xf32, #tpu.memory_space<hbm>> -> memref<1x32x1x128xf32, #tpu.memory_space<hbm>>
    %dma_wait3A_218 = tpu.memref_squeeze %dma_wait3A_217 : memref<1x32x1x128xf32, #tpu.memory_space<hbm>> -> memref<32x128xf32, #tpu.memory_space<hbm>>
    %dma_wait3A_219 = arith.constant 0 : i32
    %dma_wait3A_220 = arith.constant 0 : i32
    %dma_wait3A_221 = tpu.memref_slice %arg6[%add3A_213, %dma_wait3A_219, %dma_wait3A_214, %dma_wait3A_220] : memref<512x32x8x128xf32, #tpu.memory_space<hbm>> -> memref<1x32x1x128xf32, #tpu.memory_space<hbm>>
    %dma_wait3A_222 = tpu.memref_squeeze %dma_wait3A_221 : memref<1x32x1x128xf32, #tpu.memory_space<hbm>> -> memref<32x128xf32, #tpu.memory_space<hbm>>
    tpu.wait_dma2 semaphore(%arg26 : memref<!tpu.dma_semaphore, #tpu.memory_space<semaphore_mem>>) src(%arg18 : memref<32x128xf32, #tpu.memory_space<vmem>>) dst(%dma_wait3A_222 : memref<32x128xf32, #tpu.memory_space<hbm>>)
    %add3A_223 = arith.constant 0 : i32
    %add3A_224 = arith.addi %add3A_75, %add3A_223 : i32
    %dma_wait3A_225 = arith.constant 0 : i32
    %dma_wait3A_226 = arith.constant 0 : i32
    %dma_wait3A_227 = arith.constant 0 : i32
    %dma_wait3A_228 = tpu.memref_slice %arg6[%add3A_224, %dma_wait3A_226, %dma_wait3A_225, %dma_wait3A_227] : memref<512x32x8x128xf32, #tpu.memory_space<hbm>> -> memref<1x32x1x128xf32, #tpu.memory_space<hbm>>
    %dma_wait3A_229 = tpu.memref_squeeze %dma_wait3A_228 : memref<1x32x1x128xf32, #tpu.memory_space<hbm>> -> memref<32x128xf32, #tpu.memory_space<hbm>>
    %dma_wait3A_230 = arith.constant 0 : i32
    %dma_wait3A_231 = arith.constant 0 : i32
    %dma_wait3A_232 = tpu.memref_slice %arg6[%add3A_224, %dma_wait3A_230, %dma_wait3A_225, %dma_wait3A_231] : memref<512x32x8x128xf32, #tpu.memory_space<hbm>> -> memref<1x32x1x128xf32, #tpu.memory_space<hbm>>
    %dma_wait3A_233 = tpu.memref_squeeze %dma_wait3A_232 : memref<1x32x1x128xf32, #tpu.memory_space<hbm>> -> memref<32x128xf32, #tpu.memory_space<hbm>>
    tpu.wait_dma2 semaphore(%arg27 : memref<!tpu.dma_semaphore, #tpu.memory_space<semaphore_mem>>) src(%arg19 : memref<32x128xf32, #tpu.memory_space<vmem>>) dst(%dma_wait3A_233 : memref<32x128xf32, #tpu.memory_space<hbm>>)
    return
  }
}

</mosaic_0001>

<sc_bundles>
// kernel: kernel.3.cloned.1.call-start
scs
__scs_entry_jumppad:
0x0: {  	(pc) =	sbr.rel $0x88, $3  }
0x1: {  	(tag) =	ssettag $0x0;
	lr =	simm.s32 $0x1  }
0x2: {  	[smem:$0x3F9E] =	sst lr;
	_ =	strace $0xD0000000  }
0x3: {  	_ = 	snop  }
0x4: {  	_ = 	snop  }
0x5: {  	_ = 	snop  }
0x6: {  	_ = 	snop  }
0x7: {  	_ = 	snop  }
__scs_overlays_trampoline_lowered:
0x8: {  	[smem:$0x3FAD] =	sst s0  }
0x9: {  	[smem:$0x3FAE] =	sst s1  }
0xa: {  	[smem:$0x3FAF] =	sst s2  }
0xb: {  	[smem:$0x3FB0] =	sst s3  }
0xc: {  	[smem:$0x3FB1] =	sst s4  }
0xd: {  	[smem:$0x3FB2] =	sst s5  }
0xe: {  	[smem:$0x3FB3] =	sst s6  }
0xf: {  	[smem:$0x3FB4] =	sst s7  }
0x10: {  	[smem:$0x3FB5] =	sst s8  }
0x11: {  	[smem:$0x3FB6] =	sst s9;
	s0 =	simm.s32 @!p0 $0x0  }
0x12: {  	s1 =	sld [smem:$0x3F9C];
	s0 =	simm.s32 @p0 $0x1  }
0x13: {  	[smem:$0x3FB7] =	sst s0;
	s0 =	simm.s32 @!p1 $0x0  }
0x14: {  	s2 =	sld [smem:$0x3F9B];
	s0 =	simm.s32 @p1 $0x1  }
0x15: {  	[smem:$0x3FB8] =	sst s0;
	s0 =	simm.s32 @!p2 $0x0  }
0x16: {  	s3 =	sld [smem:$0x3FDB];
	s0 =	simm.s32 @p2 $0x1  }
0x17: {  	s4 =	simm.s32 $0x1BF5;
	[smem:$0x3FBA] =	sst s0  }
0x18: {  	s0 =	sld [smem:$0x3F9D];
	_ =	swait.ge [sflag:s4], $0x0  }
0x19: {  	s7 =	sld [smem:$0x3F9E]  }
0x1a: {  	s8 =	sadd.s32 $0xFFFFE003, lr  }
0x1b: {  	s9 =	sadd.s32 $0xFFFFFEF7, lr;
	s5 =	simm.s32 $0xFFFFFFFF;
	p2 =	slt.u32 s8, $0xFFFFF086  }
0x1c: {  	p1 =	slt.u32 s9, $0xF7A;
	s5 =	simm.s32 @!p2 $0x0  }
0x1d: {  	s5 =	simm.s32 @p1 $0x1;
	p0 =	seq.s32 s7, s2  }
0x1e: {  	s7 =	smul.u32 @!p0 $0xF7A, s2;
	p2 =	seq.s32 @!p0 s5, $0x0  }
0x1f: {  	s9 =	smul.u32 $0xF7A, s1;
	s8 =	simm.s32 @!p0 $0x1BF5;
	p2 =	por !p2, p0  }
0x20: {  	[sflag:s8] =	ssyncset.s32 @!p0 $0xFFFFF086;
	s6 =	sadd.s32 @!p0 s3, s7;
	s7 =	simm.s32 @!p0 $0x108  }
0x21: {  	s3 =	sadd.s32 s3, s9;
	s6 =	sadd.s32 @!p0 $0x88, s6;
	s7 =	simm.s32 @p2 $0x1082  }
0x22: {  	[simem:s7], [sflag:s8] =	dma.local @!p0 [hbm:s6], $0xF7A  }
0x23: {  	s9 =	sor.u32 $0xD0000000, s2;
	s6 =	simm.s32 $0x108;
	_ =	swait.ge @!p0 [sflag:s8], $0x0  }
0x24: {  	s3 =	sadd.s32 $0x88, s3;
	s6 =	simm.s32 @!p1 $0x1082;
	[sflag:s4] =	ssyncset.s32 $0xFFFFF086  }
0x25: {  	[simem:s6], [sflag:s4] =	dma.local [hbm:s3], $0xF7A  }
0x26: {  	[smem:$0x3F9E] =	sst s1;
	(tag) =	ssettag s2;
	_ =	strace s9  }
0x27: {  	s1 =	sld [smem:$0x3FAE]  }
0x28: {  	s2 =	sld [smem:$0x3FAF]  }
0x29: {  	s4 =	sld [smem:$0x3FB1]  }
0x2a: {  	p0 =	seq.s32 s5, $0x0;
	s5 =	sld [smem:$0x3FB2]  }
0x2b: {  	s6 =	sld [smem:$0x3FB3]  }
0x2c: {  	s7 =	sld [smem:$0x3FB4]  }
0x2d: {  	s3 =	simm.s32 $0x108;
	s8 =	sld [smem:$0x3FB5]  }
0x2e: {  	s3 =	simm.s32 @!p0 $0x1082;
	s9 =	sld [smem:$0x3FB6]  }
0x2f: {  	lr =	sadd.s32 s0, s3;
	s0 =	sld [smem:$0x3FAD]  }
0x30: {  	s3 =	sld [smem:$0x3FB0]  }
0x31: {  	[smem:$0x3FB9] =	sst s10  }
0x32: {  	s10 =	sld [smem:$0x3FB7];
	_ =	sdelay $0x3  }
0x33: {  	p0 =	seq.s32 s10, $0x1;
	s10 =	sld [smem:$0x3FB9];
	_ =	sdelay $0x3  }
0x34: {  	[smem:$0x3FB9] =	sst s10  }
0x35: {  	s10 =	sld [smem:$0x3FB8];
	_ =	sdelay $0x3  }
0x36: {  	p1 =	seq.s32 s10, $0x1;
	s10 =	sld [smem:$0x3FB9];
	_ =	sdelay $0x3  }
0x37: {  	[smem:$0x3FB9] =	sst s10  }
0x38: {  	s10 =	sld [smem:$0x3FBA]  }
0x39: {  	_ = 	snop;
	(pc) =	sbr.ind lr, $3  }
0x3a: {  	_ = 	snop  }
0x3b: {  	_ = 	snop  }
0x3c: {  	p2 =	seq.s32 s10, $0x1;
	s10 =	sld [smem:$0x3FB9]  }
0x3d: {  	_ =	shalt  }
0x3e: {  	_ =	shalt  }
0x3f: {  	_ =	shalt  }
0x40: {  	_ =	shalt  }
0x41: {  	_ =	shalt  }
0x42: {  	_ =	shalt  }
0x43: {  	_ =	shalt  }
0x44: {  	_ =	shalt  }
0x45: {  	_ =	shalt  }
0x46: {  	_ =	shalt  }
0x47: {  	_ =	shalt  }
0x48: {  	_ =	shalt  }
0x49: {  	_ =	shalt  }
0x4a: {  	_ =	shalt  }
0x4b: {  	_ =	shalt  }
0x4c: {  	_ =	shalt  }
0x4d: {  	_ =	shalt  }
0x4e: {  	_ =	shalt  }
0x4f: {  	_ =	shalt  }
0x50: {  	_ =	shalt  }
0x51: {  	_ =	shalt  }
0x52: {  	_ =	shalt  }
0x53: {  	_ =	shalt  }
0x54: {  	_ =	shalt  }
0x55: {  	_ =	shalt  }
0x56: {  	_ =	shalt  }
0x57: {  	_ =	shalt  }
0x58: {  	_ =	shalt  }
0x59: {  	_ =	shalt  }
0x5a: {  	_ =	shalt  }
0x5b: {  	_ =	shalt  }
0x5c: {  	_ =	shalt  }
0x5d: {  	_ =	shalt  }
0x5e: {  	_ =	shalt  }
0x5f: {  	_ =	shalt  }
0x60: {  	_ =	shalt  }
0x61: {  	_ =	shalt  }
0x62: {  	_ =	shalt  }
0x63: {  	_ =	shalt  }
0x64: {  	_ =	shalt  }
0x65: {  	_ =	shalt  }
0x66: {  	_ =	shalt  }
0x67: {  	_ =	shalt  }
0x68: {  	_ =	shalt  }
0x69: {  	_ =	shalt  }
0x6a: {  	_ =	shalt  }
0x6b: {  	_ =	shalt  }
0x6c: {  	_ =	shalt  }
0x6d: {  	_ =	shalt  }
0x6e: {  	_ =	shalt  }
0x6f: {  	_ =	shalt  }
0x70: {  	_ =	shalt  }
0x71: {  	_ =	shalt  }
0x72: {  	_ =	shalt  }
0x73: {  	_ =	shalt  }
0x74: {  	_ =	shalt  }
0x75: {  	_ =	shalt  }
0x76: {  	_ =	shalt  }
0x77: {  	_ =	shalt  }
0x78: {  	_ =	shalt  }
0x79: {  	_ =	shalt  }
0x7a: {  	_ =	shalt  }
0x7b: {  	_ =	shalt  }
0x7c: {  	_ =	shalt  }
0x7d: {  	_ =	shalt  }
0x7e: {  	_ =	shalt  }
0x7f: {  	_ =	shalt  }
0x80: {  	_ =	shalt  }
0x81: {  	_ =	shalt  }
0x82: {  	_ =	shalt  }
0x83: {  	_ =	shalt  }
0x84: {  	_ =	shalt  }
0x85: {  	_ =	shalt  }
0x86: {  	_ =	shalt  }
0x87: {  	_ =	shalt  }
.Lfunc_end0:
.L_simem_size_0:
called_computation_lowered:
.L_overlay_start_0:
0x88: {  	s2 =	sld [smem:$0x3FD9]  }
0x89: {  	s3 =	sld [smem:$0x3FFE];
	_ =	sdelay $0x1  }
0x8a: {  	s1 =	srdreg.scid  }
0x8b: {  	s0 =	sand.u32 $0x1, s1  }
0x8c: {  	s15 =	sshll.u32 s0, $0xA;
	s2 =	sadd.s32 s3, s2  }
0x8d: {  	s2 =	sadd.s32 s2, s15  }
0x8e: {  	[smem:$0x3FC5] =	sst s2  }
0x8f: {  	_ = 	snop  }
0x90: {  	s2 =	sld [smem:$0x3FD0]  }
0x91: {  	s16 =	sld [smem:$0x3FC9]  }
0x92: {  	s4 =	sld [smem:$0x3FC8]  }
0x93: {  	s6 =	simm.s32 $0xA;
	s7 =	simm.s32 $0x10;
	s5 =	sld [smem:$0x3FC7]  }
0x94: {  	[smem:s7], [sflag:s6] =	dma.local [hbm:s2], $0x1  }
0x95: {  	_ =	swait.eq [sflag:s6], $0x1  }
0x96: {  	s17 =	sld [smem:$0x10];
	[sflag:s6] =	ssyncset.done $0x0  }
0x97: {  	s18 =	sld [smem:$0x11];
	[sflag:s6] =	ssyncadd.s32 $0xFFFFFFFF  }
0x98: {  	s19 =	sld [smem:$0x12];
	(tm) =	ssettm $0x1  }
0x99: {  	s8 =	sld [smem:$0x3FFB];
	_ =	sdelay $0x3  }
0x9a: {  	_ =	strace s8  }
0x9b: {  	s8 =	sld [smem:$0x3FFC];
	_ =	sdelay $0x3  }
0x9c: {  	_ =	strace s8  }
0x9d: {  	s8 =	sld [smem:$0x3FFD];
	_ =	sdelay $0x3  }
0x9e: {  	_ =	strace s8  }
0x9f: {  	_ =	strace $0x8FFFFFFF  }
0xa0: {  	s20 =	sld [smem:$0x3FDB];
	_ =	sdelay $0x1  }
0xa1: {  	s9 =	simm.s32 $_scs_section_size  }
0xa2: {  	s10 =	simm.s32 $_size__tile_overlayer_lowered;
	s11 =	simm.s32 $_tile_overlayer_lowered  }
0xa3: {  	s23 =	simm.s32 $0x1BFF;
	s22 =	sshll.u32 s11, $0x1;
	s8 =	sadd.s32 s9, s20  }
0xa4: {  	s12 =	simm.s32 $0x0;
	s21 =	sshll.u32 s10, $0x1;
	s10 =	sadd.s32 s22, s8  }
0xa5: {  	[timem:s12], [sflag:s23] =	dma.local [hbm:s10], s21  }
0xa6: {  	_ =	swait.ge [sflag:s23], s21  }
0xa7: {  	s9 =	ssub.s32 $0x0, s21;
	[sflag:s23] =	ssyncset.done $0x0  }
0xa8: {  	[sflag:s23] =	ssyncadd.s32 s9;
	_ =	sdelay $0x1  }
0xa9: {  	s24 =	simm.s32 $0x1B8B  }
0xaa: {  	_ =	swait.ge [sflag:s24], $0x1  }
0xab: {  	[sflag:s24] =	ssyncset.done $0x0  }
0xac: {  	s25 =	simm.s32 $0x1B8E;
	[sflag:s24] =	ssyncadd.s32 $0xFFFFFFFF  }
0xad: {  	s26 =	simm.s32 $execute0_lowered;
	[smem:$0x3FD2] =	sst s25  }
0xae: {  	s9 =	sshll.u32 s26, $0x1;
	_ =	strace $0x80000046;
	[dreg:$0x1] =	wrdreg $0xFFFFFFFF  }
0xaf: {  	s28 =	simm.s32 $_size_execute0_lowered;
	s8 =	sadd.s32 s8, s9;
	[dreg:$0x0] =	wrdreg $0x0  }
0xb0: {  	s9 =	sshll.u32 s28, $0x1;
	[dreg:$0x2] =	wrdreg s8  }
0xb1: {  	[dreg:$0x3] =	wrdreg s9  }
0xb2: {  	[dreg:$0x4] =	wrdreg $0xC0  }
0xb3: {  	_ =	task [dreg:s12], $0x5FFFF  }
0xb4: {  	[dreg:$0x1] =	wrdreg $0xFFFFFFFF  }
0xb5: {  	[dreg:$0x0] =	wrdreg $0x60  }
0xb6: {  	[dreg:$0x2] =	wrdreg s16  }
0xb7: {  	[dreg:$0x3] =	wrdreg s4  }
0xb8: {  	[dreg:$0x4] =	wrdreg s5  }
0xb9: {  	[dreg:$0x5] =	wrdreg s17  }
0xba: {  	[dreg:$0x6] =	wrdreg s18  }
0xbb: {  	[dreg:$0x7] =	wrdreg s19  }
0xbc: {  	[dreg:$0x8] =	wrdreg $0x9  }
0xbd: {  	_ =	task.clear_ibuf [dreg:s12], $0x9FFFF;
	_ =	strace $0x90000046  }
0xbe: {  	s29 =	simm.s32 $0x9;
	_ =	strace $0x80000048  }
0xbf: {  	_ =	swait.ge [sflag:s29], $0x1  }
0xc0: {  	[sflag:s29] =	ssyncadd.s32 $0xFFFFFFFF  }
0xc1: {  	_ =	strace $0x90000048  }
0xc2: {  	_ =	sfence  }
0xc3: {  	s30 =	sld [smem:$0x0];
	_ =	sdelay $0x2  }
0xc4: {  	s31 =	sshll.u32 s1, $0xD;
	s1 =	sshrl.u32 s1, $0x2  }
0xc5: {  	s3 =	sand.u32 $0x4000, s31;
	s1 =	sadd.s32 s1, s30  }
0xc6: {  	s0 =	sor.u32 s3, s0;
	s1 =	sshll.u32 s1, $0x11  }
0xc7: {  	s0 =	sor.u32 s1, s0  }
0xc8: {  	s0 =	sadd.s32 $0x8F2B, s0  }
0xc9: {  	[sflag:s0] =	ssyncadd.remote.s32 $0x1  }
0xca: {  	_ =	sfence.sel $0xFFFF  }
0xcb: {  	[dreg:$0x0] =	wrdreg $0xFFFFFFFF;
	(pc) =	sbr.abs _section_cstart, $3  }
0xcc: {  	[dreg:$0x1] =	wrdreg $0xFFFFFFFF  }
0xcd: {  	_ =	task.clear_ibuf [dreg:s12], $0x2FFFF;
	_ =	strace $0x9FFFFFFF  }
0xce: {  	(tm) =	ssettm $0x7FFFFFFF  }
0xcf: {  	_ =	shalt  }
tec
execute0_lowered:
.L_overlay_start_1:
0x0: {  	(tag) =	ssettag $0x1  }
0x1: {  	s0 =	srdreg.scid  }
0x2: {  	s3 =	stileid.u32;
	s0 =	sand.u32 $0x1, s0  }
0x3: {  	s1 =	sor.u32 s0, s3  }
0x4: {  	s4 =	rddreg [dreg:$0x0];
	p1 =	seq.s32 s0, $0x1;
	p0 =	seq.s32 s1, $0x0  }
0x5: {  	s23 =	rddreg [dreg:$0x1];
	p0 =	por !p0, !p1  }
0x6: {  	s2 =	simm.s32 $0x1;
	s8 =	rddreg [dreg:$0x2];
	p0 =	por !p0, !p0  }
0x7: {  	s9 =	rddreg [dreg:$0x3];
	s2 =	simm.s32 @!p0 $0x0  }
0x8: {  	s10 =	rddreg [dreg:$0x5];
	s2 =	ssub.s32 s3, s2  }
0x9: {  	s24 =	simm.s32 $0x0;
	s12 =	simm.s32 $0x1;
	s3 =	sand.u32 $0xE0, s2  }
0xa: {  	s28 =	simm.s32 $0xE800;
	s29 =	simm.s32 $0x2;
	s5 =	sshrl.u32 s3, $0x5  }
0xb: {  	s30 =	simm.s32 $0x3;
	[smem:$0x7FF] =	sst s24;
	s5 =	sadd.s32 s5, s2  }
0xc: {  	_ =	strace $0x80000047;
	s7 =	ssub.s32 $0x2, s0;
	s6 =	sand.u32 $0xFFFFFFF8, s5  }
0xd: {  	s19 =	sshll.u32 s0, $0xE;
	s11 =	sshrl.u32 s7, $0x1;
	s6 =	ssub.s32 s2, s6  }
0xe: {  	s11 =	ssub.s32 s7, s11;
	p5 =	slt.s32 s2, $0x1;
	p6 =	sne.s32 s6, $0x0  }
0xf: {  	s25 =	sshra.s32 s5, $0x3;
	s5 =	simm.s32 $0x1;
	p0 =	por !p5, !p6  }
0x10: {  	s2 =	sshll.u32 s2, $0x5;
	s6 =	sshll.u32 s6, $0x7;
	p0 =	por !p0, !p0  }
0x11: {  	s13 =	sand.u32 $0x380, s6;
	s6 =	sshll.u32 s0, $0x4;
	s12 =	simm.s32 @!p0 $0x0  }
0x12: {  	s22 =	sor.u32 s19, s13;
	p0 =	sne.s32 s0, $0x0;
	s7 =	ssub.s32 s25, s12  }
0x13: {  	s12 =	sshll.u32 s7, $0xF;
	s15 =	sshll.u32 s7, $0x11;
	s7 =	sor.u32 s6, s2  }
0x14: {  	s14 =	sor.u32 s13, s12;
	s15 =	sor.u32 s13, s15;
	s18 =	sshll.u32 s7, $0xE  }
0x15: {  	s20 =	sor.u32 s19, s12;
	s26 =	sshrl.u32 s14, $0x3;
	s3 =	sshrl.u32 s15, $0x3  }
0x16: {  	s16 =	sadd.s32 $0x40000, s15;
	s17 =	sadd.s32 $0x80000, s15;
	s31 =	sadd.s32 s8, s26  }
0x17: {  	s2 =	sadd.s32 s10, s26;
	s10 =	sadd.s32 s4, s3;
	[dreg:$0x7] =	wrdreg s31  }
0x18: {  	s16 =	sshrl.u32 s16, $0x3;
	s8 =	sand.u32 $0x1FFC0000, s18;
	[dreg:$0x8] =	wrdreg s2  }
0x19: {  	[dreg:$0x9] =	wrdreg s10;
	s2 =	sadd.s32 s4, s16;
	s1 =	sadd.s32 s23, s8  }
0x1a: {  	s23 =	sor.u32 s19, s14;
	s31 =	smax.u32 s11, $0x1;
	[dreg:$0xa] =	wrdreg s2  }
0x1b: {  	s2 =	sshrl.u32 s17, $0x3;
	s21 =	sadd.s32 $0x30, s1;
	[dreg:$0xc] =	wrdreg s1  }
0x1c: {  	s8 =	sadd.s32 $0x20000, s23;
	s26 =	sadd.s32 $0x10, s1;
	[dreg:$0x13] =	wrdreg s31  }
0x1d: {  	s1 =	sadd.s32 $0x20, s1;
	s2 =	sadd.s32 s4, s2;
	[dreg:$0xd] =	wrdreg s21  }
0x1e: {  	s4 =	sor.u32 s12, s22;
	s25 =	sshrl.u32 s8, $0x3;
	[dreg:$0x11] =	wrdreg s26  }
0x1f: {  	[dreg:$0x12] =	wrdreg s1;
	s21 =	simm.s32 $0x80;
	s22 =	simm.s32 $0x400  }
0x20: {  	s26 =	simm.s32 $0xA800;
	[dreg:$0xb] =	wrdreg s2;
	s2 =	sor.u32 s13, s20  }
.Ltmp0:
0x21: {  	s4 =	sshrl.u32 s4, $0x3;
	s2 =	sadd.s32 $0x10000, s2;
	(pc) =	sbr.rel .LBB2_1-.Ltmp0, $4  }
0x22: {  	s1 =	simm.s32 $0x0;
	s24 =	sadd.s32 s9, s4;
	s2 =	sshrl.u32 s2, $0x3  }
0x23: {  	s4 =	simm.s32 $0x9;
	[dreg:$0xe] =	wrdreg s24;
	s2 =	sadd.s32 s9, s2  }
0x24: {  	s24 =	simm.s32 $0x2800;
	[dreg:$0xf] =	wrdreg s2;
	s2 =	sadd.s32 s9, s25  }
0x25: {  	s25 =	simm.s32 $0x6800;
	s9 =	simm.s32 $0x4;
	[dreg:$0x10] =	wrdreg s2  }
.LBB2_26:
0x26: {  	s0 =	simm.s32 $0x5  }
0x27: {  	_ =	swait.ge [sflag:s0], $0x1000  }
0x28: {  	[sflag:s0] =	ssyncset.done $0x0  }
0x29: {  	[sflag:s0] =	ssyncadd.s32 $0xFFFFF000  }
0x2a: {  	_ =	swait.ge [sflag:s10], $0x1000  }
0x2b: {  	[sflag:s10] =	ssyncset.done $0x0  }
0x2c: {  	[sflag:s10] =	ssyncadd.s32 $0xFFFFF000  }
0x2d: {  	_ =	swait.ge [sflag:s14], $0x1000  }
0x2e: {  	[sflag:s14] =	ssyncset.done $0x0  }
0x2f: {  	[sflag:s14] =	ssyncadd.s32 $0xFFFFF000  }
0x30: {  	_ =	swait.ge [sflag:s20], $0x1000  }
0x31: {  	s1 =	rddreg [dreg:$0x14]  }
0x32: {  	s31 =	rddreg [dreg:$0x13];
	s1 =	sadd.s32 $0x1, s1  }
0x33: {  	p1 =	sne.s32 s1, s31  }
.Ltmp1:
0x34: {  	_ = 	snop;
	(pc) =	sbr.rel @!p1 .LBB2_27-.Ltmp1, $3  }
0x35: {  	_ =	sdelay $0x1  }
0x36: {  	[sflag:s20] =	ssyncset.done $0x0  }
0x37: {  	[sflag:s20] =	ssyncadd.s32 $0xFFFFF000  }
.LBB2_1:
0x38: {  	[dreg:$0x14] =	wrdreg s1  }
0x39: {  	s0 =	simm.s32 $0x0;
	s16 =	rddreg [dreg:$0x7]  }
0x3a: {  	[tilespmem:s0], [sflag:$0x9] =	stream.strided.gather [hbm4b:s16+s21], $0x1000, s22, s21, $0x38;
	[tilespmem:$0x16800] =	vst v63  }
0x3b: {  	_ =	swait.ge [sflag:s4], $0x1000  }
0x3c: {  	s12 =	simm.s32 @!p0 $0x80;
	s13 =	simm.s32 @!p0 $0x400;
	[sflag:s4] =	ssyncset.done $0x0  }
0x3d: {  	s14 =	simm.s32 @!p0 $0x0;
	s1 =	rddreg [dreg:$0x8];
	[sflag:s4] =	ssyncadd.s32 $0xFFFFF000  }
0x3e: {  	[hbm4b:s1+s12] =	stream.strided.scatter @!p0 [tilespmem:s14], [sflag:$0x9], $0x1000, s13, s12, $0x38;
	[tilespmem:$0x16800] =	vst v63  }
0x3f: {  	s12 =	simm.s32 @!p0 $0x9  }
0x40: {  	_ =	swait.ge @!p0 [sflag:s12], $0x1000  }
0x41: {  	[sflag:s12] =	ssyncset.done @!p0 $0x0  }
0x42: {  	s17 =	rddreg [dreg:$0x9];
	[sflag:s12] =	ssyncadd.s32 @!p0 $0xFFFFF000  }
0x43: {  	[tilespmem:s24], [sflag:$0x1] =	stream.strided.gather [hbm4b:s17+s21], $0x4000, s22, s21, $0x38;
	[tilespmem:$0x16800] =	vst v63  }
0x44: {  	s18 =	rddreg [dreg:$0xa]  }
0x45: {  	[tilespmem:s25], [sflag:$0x2] =	stream.strided.gather [hbm4b:s18+s21], $0x4000, s22, s21, $0x38;
	[tilespmem:$0x16800] =	vst v63  }
0x46: {  	s19 =	rddreg [dreg:$0xb]  }
0x47: {  	[tilespmem:s26], [sflag:$0x3] =	stream.strided.gather [hbm4b:s19+s21], $0x4000, s22, s21, $0x38;
	[tilespmem:$0x16800] =	vst v63  }
0x48: {  	s20 =	rddreg [dreg:$0xd]  }
0x49: {  	[tilespmem:s28], [sflag:$0x4] =	stream.strided.gather [hbm4b:s20+s21], $0x4000, s22, s21, $0x38;
	[tilespmem:$0x16800] =	vst v63  }
0x4a: {  	_ =	swait.ge [sflag:s5], $0x4000  }
0x4b: {  	[sflag:s5] =	ssyncset.done $0x0  }
0x4c: {  	[sflag:s5] =	ssyncadd.s32 $0xFFFFC000  }
0x4d: {  	_ =	swait.ge [sflag:s29], $0x4000  }
0x4e: {  	[sflag:s29] =	ssyncset.done $0x0  }
0x4f: {  	s23 =	sadd.s32 $0x0, s6;
	[sflag:s29] =	ssyncadd.s32 $0xFFFFC000  }
0x50: {  	s14 =	sand.u32 $0x40, s0;
	s12 =	sshll.u32 s23, $0x7;
	_ =	swait.ge [sflag:s30], $0x4000  }
0x51: {  	s1 =	sor.u32 $0x30, s14;
	s12 =	sand.u32 $0x3FFFFF80, s12;
	[sflag:s30] =	ssyncset.done $0x0  }
0x52: {  	s15 =	sor.u32 s1, s12;
	[sflag:s30] =	ssyncadd.s32 $0xFFFFC000  }
0x53: {  	v7 =	vld [tilespmem:s15+$0x0]  }
0x54: {  	s2 =	sor.u32 $0x10, s14;
	s16 =	sor.u32 s14, s12  }
0x55: {  	s31 =	sor.u32 $0x20, s14;
	s17 =	sor.u32 s2, s12;
	v2 =	vld [tilespmem:s16+$0x0]  }
0x56: {  	s12 =	sor.u32 s31, s12;
	v1 =	vld [tilespmem:s17+$0x0]  }
0x57: {  	v0 =	vld [tilespmem:s12+$0x0]  }
0x58: {  	s3 =	sadd.s32 $0x0, s6  }
0x59: {  	s18 =	simm.s32 $0x40;
	s12 =	sshll.u32 s3, $0x7  }
0x5a: {  	s19 =	sand.u32 $0x40, s18;
	s5 =	sand.u32 $0x3FFFFF80, s12  }
0x5b: {  	s8 =	sor.u32 s19, s5;
	v3 =	vld.idx.msk [tilespmem:v7+s24+$0x0], $0xffff  }
0x5c: {  	v5 =	vld [tilespmem:s8+$0x0]  }
0x5d: {  	v6 =	vld.idx.msk [tilespmem:v2+s24+$0x0], $0xffff  }
0x5e: {  	s4 =	simm.s32 $0x0;
	s23 =	sor.u32 $0x30, s19;
	v8 =	vld.idx.msk [tilespmem:v1+s24+$0x0], $0xffff  }
0x5f: {  	s20 =	sor.u32 s4, s1;
	s12 =	sor.u32 s23, s5;
	v9 =	vld.idx.msk [tilespmem:v0+s24+$0x0], $0xffff  }
0x60: {  	s13 =	sor.u32 $0x10, s19;
	[tilespmem:s20+$0x1000] =	vst v3;
	v3 =	vld [tilespmem:s12+$0x0]  }
0x61: {  	s10 =	sor.u32 s13, s5;
	s12 =	sor.u32 $0x20, s19;
	v10 =	vld.idx.msk [tilespmem:v7+s25+$0x0], $0xffff  }
0x62: {  	s17 =	sor.u32 s14, s4;
	v4 =	vld [tilespmem:s10+$0x0];
	s11 =	sor.u32 s12, s5  }
0x63: {  	s15 =	sor.u32 s4, s2;
	[tilespmem:s17+$0x1000] =	vst v6;
	v6 =	vld [tilespmem:s11+$0x0]  }
0x64: {  	s16 =	sor.u32 s4, s31;
	[tilespmem:s15+$0x1000] =	vst v8;
	v12 =	vld.idx.msk [tilespmem:v2+s25+$0x0], $0xffff  }
0x65: {  	[tilespmem:s16+$0x1000] =	vst v9;
	v11 =	vld.idx.msk [tilespmem:v1+s25+$0x0], $0xffff  }
0x66: {  	v8 =	vld.idx.msk [tilespmem:v0+s25+$0x0], $0xffff;
	[tilespmem:s20+$0x1800] =	vst v10  }
0x67: {  	v10 =	vld.idx.msk [tilespmem:v7+s26+$0x0], $0xffff  }
0x68: {  	v7 =	vld.idx.msk [tilespmem:v5+s24+$0x0], $0xffff  }
0x69: {  	s14 =	simm.s32 $0x4;
	s31 =	simm.s32 $0x0;
	v9 =	vld.idx.msk [tilespmem:v3+s24+$0x0], $0xffff  }
.LBB2_2:
0x6a: {  	s14 =	sadd.s32 $0x4, s14;
	v13 =	vld.idx.msk [tilespmem:v4+s24+$0x0], $0xffff;
	[tilespmem:s17+$0x1800] =	vst v12  }
0x6b: {  	s0 =	sshrl.u32 s14, $0x3;
	p1 =	slt.u32 s14, $0x7C;
	v12 =	vld.idx.msk [tilespmem:v6+s24+$0x0], $0xffff;
	[tilespmem:s15+$0x1800] =	vst v11  }
0x6c: {  	s31 =	sshll.u32 s31, $0x7;
	s18 =	sadd.s32 $0x40, s18;
	s8 =	sadd.s32 s6, s0;
	v11 =	vld.idx.msk [tilespmem:v2+s26+$0x0], $0xffff;
	[tilespmem:s20+$0x2000] =	vst v10;
	v2 =	vmov v5  }
0x6d: {  	s11 =	sand.u32 $0x40, s18;
	s20 =	sor.u32 s31, s23;
	s8 =	sshll.u32 s8, $0x7;
	v14 =	vld.idx.msk [tilespmem:v1+s26+$0x0], $0xffff;
	[tilespmem:s16+$0x1800] =	vst v8;
	v1 =	vmov v4  }
0x6e: {  	s3 =	sor.u32 $0x10, s11;
	s23 =	sor.u32 $0x30, s11;
	s8 =	sand.u32 $0x3FFFFF80, s8;
	[tilespmem:s20+$0x1000] =	vst v9;
	v9 =	vld.idx.msk [tilespmem:v0+s26+$0x0], $0xffff;
	v0 =	vmov v6  }
0x6f: {  	s2 =	sor.u32 $0x20, s11;
	s1 =	sor.u32 s11, s8;
	s4 =	sor.u32 s23, s8;
	v8 =	vld.idx.msk [tilespmem:v3+s25+$0x0], $0xffff  }
0x70: {  	s10 =	sor.u32 s3, s8;
	s8 =	sor.u32 s2, s8;
	v15 =	vld [tilespmem:s4+$0x0];
	s4 =	sor.u32 s19, s31  }
0x71: {  	s5 =	sor.u32 s31, s12;
	v5 =	vld [tilespmem:s1+$0x0];
	[tilespmem:s4+$0x1000] =	vst v7;
	s1 =	sor.u32 s31, s13;
	s31 =	smov.u32 s0  }
0x72: {  	s12 =	smov.u32 s2;
	s19 =	smov.u32 s11;
	s13 =	smov.u32 s3;
	v4 =	vld [tilespmem:s10+$0x0];
	[tilespmem:s1+$0x1000] =	vst v13  }
0x73: {  	v6 =	vld [tilespmem:s8+$0x0];
	[tilespmem:s5+$0x1000] =	vst v12  }
0x74: {  	v12 =	vld.idx.msk [tilespmem:v2+s25+$0x0], $0xffff;
	[tilespmem:s17+$0x2000] =	vst v11;
	s17 =	smov.u32 s4  }
.Ltmp2:
0x75: {  	v11 =	vld.idx.msk [tilespmem:v1+s25+$0x0], $0xffff;
	[tilespmem:s20+$0x1800] =	vst v8;
	(pc) =	sbr.rel @p1 .LBB2_2-.Ltmp2, $4  }
0x76: {  	v10 =	vld.idx.msk [tilespmem:v3+s26+$0x0], $0xffff;
	[tilespmem:s15+$0x2000] =	vst v14;
	v3 =	vmov v15;
	s15 =	smov.u32 s1  }
0x77: {  	v8 =	vld.idx.msk [tilespmem:v0+s25+$0x0], $0xffff;
	[tilespmem:s16+$0x2000] =	vst v9;
	s16 =	smov.u32 s5  }
0x78: {  	v9 =	vld.idx.msk [tilespmem:v15+s24+$0x0], $0xffff  }
0x79: {  	v7 =	vld.idx.msk [tilespmem:v5+s24+$0x0], $0xffff  }
0x7a: {  	_ =	sdelay $0x3  }
0x7b: {  	v13 =	vld.idx.msk [tilespmem:v4+s24+$0x0], $0xffff;
	[tilespmem:s17+$0x1800] =	vst v12  }
0x7c: {  	v57 =	vld.idx.msk [tilespmem:v6+s24+$0x0], $0xffff;
	[tilespmem:s15+$0x1800] =	vst v11;
	s0 =	sshll.u32 s31, $0x7  }
0x7d: {  	[tilespmem:s20+$0x2000] =	vst v10;
	s1 =	sor.u32 s0, s23  }
0x7e: {  	v2 =	vld.idx.msk [tilespmem:v2+s26+$0x0], $0xffff;
	s2 =	sor.u32 s19, s0;
	[tilespmem:s1+$0x1000] =	vst v9  }
0x7f: {  	s3 =	sor.u32 s0, s13;
	v9 =	vld.idx.msk [tilespmem:v3+s25+$0x0], $0xffff;
	[tilespmem:s2+$0x1000] =	vst v7  }
0x80: {  	s0 =	sor.u32 s0, s12;
	[tilespmem:s3+$0x1000] =	vst v13;
	v7 =	vld.idx.msk [tilespmem:v5+s25+$0x0], $0xffff  }
0x81: {  	[tilespmem:s0+$0x1000] =	vst v57;
	v58 =	vld.idx.msk [tilespmem:v4+s25+$0x0], $0xffff  }
0x82: {  	[tilespmem:s16+$0x1800] =	vst v8;
	v59 =	vld.idx.msk [tilespmem:v6+s25+$0x0], $0xffff  }
0x83: {  	v1 =	vld.idx.msk [tilespmem:v1+s26+$0x0], $0xffff;
	[tilespmem:s17+$0x2000] =	vst v2  }
0x84: {  	v0 =	vld.idx.msk [tilespmem:v0+s26+$0x0], $0xffff;
	[tilespmem:s1+$0x1800] =	vst v9  }
0x85: {  	v60 =	vld.idx.msk [tilespmem:v3+s26+$0x0], $0xffff;
	[tilespmem:s2+$0x1800] =	vst v7  }
0x86: {  	[tilespmem:s3+$0x1800] =	vst v58;
	v61 =	vld.idx.msk [tilespmem:v5+s26+$0x0], $0xffff  }
0x87: {  	[tilespmem:s0+$0x1800] =	vst v59;
	v62 =	vld.idx.msk [tilespmem:v4+s26+$0x0], $0xffff  }
0x88: {  	[tilespmem:s15+$0x2000] =	vst v1;
	v63 =	vld.idx.msk [tilespmem:v6+s26+$0x0], $0xffff  }
0x89: {  	[tilespmem:s16+$0x2000] =	vst v0  }
0x8a: {  	[tilespmem:s1+$0x2000] =	vst v60  }
0x8b: {  	[tilespmem:s2+$0x2000] =	vst v61  }
0x8c: {  	[tilespmem:s3+$0x2000] =	vst v62  }
0x8d: {  	[tilespmem:s0+$0x2000] =	vst v63  }
0x8e: {  	s4 =	simm.s32 $0x9;
	s15 =	simm.s32 $0x1000;
	s0 =	rddreg [dreg:$0xe]  }
0x8f: {  	[hbm4b:s0+s21] =	stream.strided.scatter [tilespmem:s15], [sflag:$0x9], $0x800, s22, s21, $0x38;
	[tilespmem:$0x16800] =	vst v63  }
0x90: {  	_ =	swait.ge [sflag:s4], $0x800  }
0x91: {  	[sflag:s4] =	ssyncset.done $0x0  }
0x92: {  	s17 =	simm.s32 $0x1800;
	s16 =	rddreg [dreg:$0xf];
	[sflag:s4] =	ssyncadd.s32 $0xFFFFF800  }
0x93: {  	[hbm4b:s16+s21] =	stream.strided.scatter [tilespmem:s17], [sflag:$0x9], $0x800, s22, s21, $0x38;
	[tilespmem:$0x16800] =	vst v63  }
0x94: {  	_ =	swait.ge [sflag:s4], $0x800  }
0x95: {  	[sflag:s4] =	ssyncset.done $0x0  }
0x96: {  	s19 =	simm.s32 $0x2000;
	s18 =	rddreg [dreg:$0x10];
	[sflag:s4] =	ssyncadd.s32 $0xFFFFF800  }
0x97: {  	[hbm4b:s18+s21] =	stream.strided.scatter [tilespmem:s19], [sflag:$0x9], $0x800, s22, s21, $0x38;
	[tilespmem:$0x16800] =	vst v63  }
0x98: {  	s5 =	simm.s32 $0x1;
	_ =	swait.ge [sflag:s4], $0x800  }
0x99: {  	s8 =	simm.s32 $0x12800;
	s10 =	simm.s32 $0x6;
	s20 =	rddreg [dreg:$0xc]  }
0x9a: {  	s11 =	simm.s32 $0x13800;
	[sflag:s4] =	ssyncset.done $0x0;
	s23 =	rddreg [dreg:$0x11]  }
0x9b: {  	s14 =	simm.s32 $0x7;
	s31 =	rddreg [dreg:$0x12];
	[sflag:s4] =	ssyncadd.s32 $0xFFFFF800  }
0x9c: {  	[tilespmem:s24], [sflag:$0x1] =	stream.strided.gather [hbm4b:s20+s21], $0x4000, s22, s21, $0x38;
	[tilespmem:$0x16800] =	vst v63  }
0x9d: {  	s15 =	simm.s32 $0x0;
	s19 =	simm.s32 $0x14800;
	s2 =	rddreg [dreg:$0x1]  }
0x9e: {  	[tilespmem:s25], [sflag:$0x2] =	stream.strided.gather [hbm4b:s23+s21], $0x4000, s22, s21, $0x38;
	[tilespmem:$0x16800] =	vst v63  }
0x9f: {  	s3 =	rddreg [dreg:$0x4];
	s20 =	simm.s32 $0x8;
	s23 =	simm.s32 $0x15800  }
0xa0: {  	[tilespmem:s26], [sflag:$0x3] =	stream.strided.gather [hbm4b:s31+s21], $0x4000, s22, s21, $0x38;
	[tilespmem:$0x16800] =	vst v63  }
.LBB2_4:
0xa1: {  	_ =	swait.ge [sflag:s5], $0x4000  }
0xa2: {  	p1 =	seq.s32 s15, $0x0;
	[sflag:s5] =	ssyncset.done $0x0  }
0xa3: {  	s0 =	simm.s32 @!p1 $0x5;
	[sflag:s5] =	ssyncadd.s32 $0xFFFFC000  }
0xa4: {  	_ =	swait.ge @!p1 [sflag:s0], $0x1000  }
0xa5: {  	[sflag:s0] =	ssyncset.done @!p1 $0x0  }
0xa6: {  	s31 =	simm.s32 $0x80;
	[sflag:s0] =	ssyncadd.s32 @!p1 $0xFFFFF000  }
0xa7: {  	v0 =	vld [tilespmem:s31+$0x70]  }
0xa8: {  	v1 =	vld [tilespmem:s31+$0xFFFFFF90]  }
0xa9: {  	v2 =	vld [tilespmem:s31+$0xFFFFFFA0]  }
0xaa: {  	v3 =	vld [tilespmem:s31+$0xFFFFFFB0]  }
0xab: {  	v4 =	vld [tilespmem:s31+$0xFFFFFFC0]  }
0xac: {  	v5 =	vld [tilespmem:s31+$0xFFFFFFD0]  }
0xad: {  	v6 =	vld [tilespmem:s31+$0xFFFFFFE0]  }
0xae: {  	v7 =	vld [tilespmem:s31+$0xFFFFFFF0]  }
0xaf: {  	v8 =	vld [tilespmem:s31+$0x0]  }
0xb0: {  	v9 =	vld [tilespmem:s31+$0x10]  }
0xb1: {  	v10 =	vld [tilespmem:s31+$0x20]  }
0xb2: {  	v11 =	vld [tilespmem:s31+$0x30]  }
0xb3: {  	v12 =	vld [tilespmem:s31+$0x40]  }
0xb4: {  	v13 =	vld [tilespmem:s31+$0x50]  }
0xb5: {  	v14 =	vld [tilespmem:s31+$0x60]  }
0xb6: {  	v15 =	vld [tilespmem:s31+$0xFFFFFF80]  }
0xb7: {  	v0 =	vld.idx.msk [tilespmem:v0+s24+$0x0], $0xffff  }
0xb8: {  	v1 =	vld.idx.msk [tilespmem:v1+s24+$0x0], $0xffff  }
0xb9: {  	v2 =	vld.idx.msk [tilespmem:v2+s24+$0x0], $0xffff  }
0xba: {  	v3 =	vld.idx.msk [tilespmem:v3+s24+$0x0], $0xffff  }
0xbb: {  	v4 =	vld.idx.msk [tilespmem:v4+s24+$0x0], $0xffff  }
0xbc: {  	s18 =	simm.s32 $0x12880;
	v16 =	vld.idx.msk [tilespmem:v5+s24+$0x0], $0xffff  }
0xbd: {  	v5 =	vld.idx.msk [tilespmem:v9+s24+$0x0], $0xffff;
	[tilespmem:s18+$0x70] =	vst v0  }
0xbe: {  	v0 =	vld.idx.msk [tilespmem:v6+s24+$0x0], $0xffff;
	[tilespmem:s18+$0xFFFFFF90] =	vst v1  }
0xbf: {  	v1 =	vld.idx.msk [tilespmem:v7+s24+$0x0], $0xffff;
	[tilespmem:s18+$0xFFFFFFA0] =	vst v2  }
0xc0: {  	v6 =	vld.idx.msk [tilespmem:v15+s24+$0x0], $0xffff;
	[tilespmem:s18+$0xFFFFFFB0] =	vst v3  }
0xc1: {  	v7 =	vld.idx.msk [tilespmem:v8+s24+$0x0], $0xffff;
	[tilespmem:s18+$0xFFFFFFC0] =	vst v4  }
0xc2: {  	[tilespmem:s18+$0xFFFFFFD0] =	vst v16;
	v3 =	vld.idx.msk [tilespmem:v10+s24+$0x0], $0xffff  }
0xc3: {  	v2 =	vld.idx.msk [tilespmem:v11+s24+$0x0], $0xffff;
	[tilespmem:s18+$0xFFFFFFE0] =	vst v0  }
0xc4: {  	v4 =	vld.idx.msk [tilespmem:v14+s24+$0x0], $0xffff;
	[tilespmem:s18+$0xFFFFFFF0] =	vst v1  }
0xc5: {  	v0 =	vld.idx.msk [tilespmem:v12+s24+$0x0], $0xffff;
	[tilespmem:s18+$0xFFFFFF80] =	vst v6  }
0xc6: {  	s16 =	sshll.u32 s15, $0x2;
	s12 =	simm.s32 $0x0;
	s13 =	simm.s32 $0x180;
	v1 =	vld.idx.msk [tilespmem:v13+s24+$0x0], $0xffff;
	[tilespmem:s18+$0x0] =	vst v7  }
.LBB2_5:
0xc7: {  	v6 =	vld [tilespmem:s13+$0x70];
	s12 =	sadd.s32 $0x10, s12;
	[tilespmem:s18+$0x10] =	vst v5  }
0xc8: {  	v5 =	vld [tilespmem:s13+$0xFFFFFF90];
	p2 =	slt.u32 s12, $0xF0;
	[tilespmem:s18+$0x20] =	vst v3  }
0xc9: {  	v3 =	vld [tilespmem:s13+$0xFFFFFFA0];
	[tilespmem:s18+$0x30] =	vst v2  }
0xca: {  	v2 =	vld [tilespmem:s13+$0xFFFFFFB0];
	[tilespmem:s18+$0x40] =	vst v0  }
0xcb: {  	v0 =	vld [tilespmem:s13+$0xFFFFFFC0];
	[tilespmem:s18+$0x50] =	vst v1  }
0xcc: {  	v1 =	vld [tilespmem:s13+$0xFFFFFFD0];
	[tilespmem:s18+$0x60] =	vst v4  }
0xcd: {  	v4 =	vld [tilespmem:s13+$0xFFFFFFE0]  }
0xce: {  	v7 =	vld [tilespmem:s13+$0xFFFFFFF0]  }
0xcf: {  	v6 =	vld.idx.msk [tilespmem:v6+s24+$0x0], $0xffff  }
0xd0: {  	v8 =	vld [tilespmem:s13+$0x0]  }
0xd1: {  	v9 =	vld [tilespmem:s13+$0x10]  }
0xd2: {  	v10 =	vld [tilespmem:s13+$0x20]  }
0xd3: {  	v11 =	vld [tilespmem:s13+$0x30]  }
0xd4: {  	s18 =	sadd.s32 $0x100, s18;
	v12 =	vld [tilespmem:s13+$0x40]  }
0xd5: {  	v13 =	vld [tilespmem:s13+$0x50];
	[tilespmem:s18+$0x70] =	vst v6  }
0xd6: {  	v6 =	vld [tilespmem:s13+$0x60]  }
0xd7: {  	v14 =	vld [tilespmem:s13+$0xFFFFFF80]  }
0xd8: {  	v5 =	vld.idx.msk [tilespmem:v5+s24+$0x0], $0xffff  }
0xd9: {  	v3 =	vld.idx.msk [tilespmem:v3+s24+$0x0], $0xffff  }
0xda: {  	v2 =	vld.idx.msk [tilespmem:v2+s24+$0x0], $0xffff  }
0xdb: {  	v0 =	vld.idx.msk [tilespmem:v0+s24+$0x0], $0xffff  }
0xdc: {  	v1 =	vld.idx.msk [tilespmem:v1+s24+$0x0], $0xffff  }
0xdd: {  	v4 =	vld.idx.msk [tilespmem:v4+s24+$0x0], $0xffff  }
0xde: {  	[tilespmem:s18+$0xFFFFFF90] =	vst v5;
	v7 =	vld.idx.msk [tilespmem:v7+s24+$0x0], $0xffff  }
0xdf: {  	v14 =	vld.idx.msk [tilespmem:v14+s24+$0x0], $0xffff;
	[tilespmem:s18+$0xFFFFFFA0] =	vst v3  }
0xe0: {  	[tilespmem:s18+$0xFFFFFFB0] =	vst v2;
	v8 =	vld.idx.msk [tilespmem:v8+s24+$0x0], $0xffff  }
0xe1: {  	[tilespmem:s18+$0xFFFFFFC0] =	vst v0;
	v5 =	vld.idx.msk [tilespmem:v9+s24+$0x0], $0xffff  }
.Ltmp3:
0xe2: {  	[tilespmem:s18+$0xFFFFFFD0] =	vst v1;
	v3 =	vld.idx.msk [tilespmem:v10+s24+$0x0], $0xffff;
	(pc) =	sbr.rel @p2 .LBB2_5-.Ltmp3, $4  }
0xe3: {  	[tilespmem:s18+$0xFFFFFFE0] =	vst v4;
	v2 =	vld.idx.msk [tilespmem:v11+s24+$0x0], $0xffff  }
0xe4: {  	[tilespmem:s18+$0xFFFFFFF0] =	vst v7;
	v0 =	vld.idx.msk [tilespmem:v12+s24+$0x0], $0xffff  }
0xe5: {  	[tilespmem:s18+$0xFFFFFF80] =	vst v14;
	v1 =	vld.idx.msk [tilespmem:v13+s24+$0x0], $0xffff  }
0xe6: {  	s13 =	sadd.s32 $0x100, s13;
	[tilespmem:s18+$0x0] =	vst v8;
	v4 =	vld.idx.msk [tilespmem:v6+s24+$0x0], $0xffff  }
0xe7: {  	[tilespmem:s18+$0x10] =	vst v5;
	s0 =	sshrl.u32 s15, $0x1  }
0xe8: {  	[tilespmem:s18+$0x20] =	vst v3;
	s1 =	sshll.u32 s15, $0x9;
	p2 =	sne.s32 s15, $0x1F;
	s0 =	sor.u32 s7, s0  }
.Ltmp4:
0xe9: {  	[tilespmem:s18+$0x30] =	vst v2;
	s1 =	sand.u32 $0x200, s1;
	s0 =	sshll.u32 s0, $0xF;
	(pc) =	sbr.rel @p2 .LBB2_8-.Ltmp4, $4  }
0xea: {  	[tilespmem:s18+$0x40] =	vst v0;
	s0 =	sor.u32 s1, s0  }
0xeb: {  	[tilespmem:s18+$0x50] =	vst v1;
	s17 =	sshrl.u32 s0, $0x3  }
0xec: {  	[tilespmem:s18+$0x60] =	vst v4;
	s0 =	sadd.s32 s3, s17  }
0xed: {  	[hbm4b:s0+s21] =	stream.strided.scatter [tilespmem:s8], [sflag:$0x5], $0x1000, s22, s21, $0x38;
	[tilespmem:$0x16800] =	vst v63  }
.Ltmp5:
0xee: {  	(pc) =	sbr.rel .LBB2_9-.Ltmp5, $4  }
0xef: {  	_ = 	snop  }
0xf0: {  	_ =	swait.ge [sflag:s29], $0x4000  }
0xf1: {  	[sflag:s29] =	ssyncset.done $0x0  }
0xf2: {  	[sflag:s29] =	ssyncadd.s32 $0xFFFFC000  }
.LBB2_8:
0xf3: {  	s0 =	sadd.s32 $0x4, s16  }
0xf4: {  	s1 =	sshrl.u32 s0, $0x3  }
0xf5: {  	s0 =	sshll.u32 s0, $0x7;
	s1 =	sadd.s32 s7, s1  }
0xf6: {  	s0 =	sand.u32 $0x200, s0;
	s1 =	sshll.u32 s1, $0x11  }
0xf7: {  	s0 =	sor.u32 s0, s1  }
0xf8: {  	s0 =	sshrl.u32 s0, $0x3  }
.Ltmp6:
0xf9: {  	s0 =	sadd.s32 s2, s0;
	(pc) =	sbr.rel @p1 .LBB2_10-.Ltmp6, $4  }
0xfa: {  	[tilespmem:s24], [sflag:$0x1] =	stream.strided.gather [hbm4b:s0+s21], $0x4000, s22, s21, $0x38;
	[tilespmem:$0x16800] =	vst v63  }
0xfb: {  	_ =	swait.ge [sflag:s29], $0x4000  }
0xfc: {  	[sflag:s29] =	ssyncset.done $0x0  }
0xfd: {  	[sflag:s29] =	ssyncadd.s32 $0xFFFFC000  }
.LBB2_9:
0xfe: {  	_ =	swait.ge [sflag:s10], $0x1000  }
0xff: {  	[sflag:s10] =	ssyncset.done $0x0  }
0x100: {  	[sflag:s10] =	ssyncadd.s32 $0xFFFFF000  }
.LBB2_10:
0x101: {  	s0 =	simm.s32 $0x80  }
0x102: {  	v0 =	vld [tilespmem:s0+$0x70]  }
0x103: {  	v1 =	vld [tilespmem:s0+$0xFFFFFF90]  }
0x104: {  	v2 =	vld [tilespmem:s0+$0xFFFFFFA0]  }
0x105: {  	v3 =	vld [tilespmem:s0+$0xFFFFFFB0]  }
0x106: {  	v4 =	vld [tilespmem:s0+$0xFFFFFFC0]  }
0x107: {  	v5 =	vld [tilespmem:s0+$0xFFFFFFD0]  }
0x108: {  	v6 =	vld [tilespmem:s0+$0xFFFFFFE0]  }
0x109: {  	v7 =	vld [tilespmem:s0+$0xFFFFFFF0]  }
0x10a: {  	v8 =	vld [tilespmem:s0+$0x0]  }
0x10b: {  	v9 =	vld [tilespmem:s0+$0x10]  }
0x10c: {  	v10 =	vld [tilespmem:s0+$0x20]  }
0x10d: {  	v11 =	vld [tilespmem:s0+$0x30]  }
0x10e: {  	v12 =	vld [tilespmem:s0+$0x40]  }
0x10f: {  	v13 =	vld [tilespmem:s0+$0x50]  }
0x110: {  	v14 =	vld [tilespmem:s0+$0x60]  }
0x111: {  	v15 =	vld [tilespmem:s0+$0xFFFFFF80]  }
0x112: {  	v0 =	vld.idx.msk [tilespmem:v0+s25+$0x0], $0xffff  }
0x113: {  	v1 =	vld.idx.msk [tilespmem:v1+s25+$0x0], $0xffff  }
0x114: {  	v2 =	vld.idx.msk [tilespmem:v2+s25+$0x0], $0xffff  }
0x115: {  	v3 =	vld.idx.msk [tilespmem:v3+s25+$0x0], $0xffff  }
0x116: {  	v4 =	vld.idx.msk [tilespmem:v4+s25+$0x0], $0xffff  }
0x117: {  	s18 =	simm.s32 $0x13880;
	v5 =	vld.idx.msk [tilespmem:v5+s25+$0x0], $0xffff  }
0x118: {  	v6 =	vld.idx.msk [tilespmem:v6+s25+$0x0], $0xffff;
	[tilespmem:s18+$0x70] =	vst v0  }
0x119: {  	v7 =	vld.idx.msk [tilespmem:v7+s25+$0x0], $0xffff;
	[tilespmem:s18+$0xFFFFFF90] =	vst v1  }
0x11a: {  	v15 =	vld.idx.msk [tilespmem:v15+s25+$0x0], $0xffff;
	[tilespmem:s18+$0xFFFFFFA0] =	vst v2  }
0x11b: {  	v8 =	vld.idx.msk [tilespmem:v8+s25+$0x0], $0xffff;
	[tilespmem:s18+$0xFFFFFFB0] =	vst v3  }
0x11c: {  	[tilespmem:s18+$0xFFFFFFC0] =	vst v4;
	v0 =	vld.idx.msk [tilespmem:v9+s25+$0x0], $0xffff  }
0x11d: {  	[tilespmem:s18+$0xFFFFFFD0] =	vst v5;
	v1 =	vld.idx.msk [tilespmem:v10+s25+$0x0], $0xffff  }
0x11e: {  	[tilespmem:s18+$0xFFFFFFE0] =	vst v6;
	v2 =	vld.idx.msk [tilespmem:v11+s25+$0x0], $0xffff  }
0x11f: {  	[tilespmem:s18+$0xFFFFFFF0] =	vst v7;
	v3 =	vld.idx.msk [tilespmem:v12+s25+$0x0], $0xffff  }
0x120: {  	[tilespmem:s18+$0xFFFFFF80] =	vst v15;
	v4 =	vld.idx.msk [tilespmem:v13+s25+$0x0], $0xffff  }
0x121: {  	s12 =	simm.s32 $0x0;
	s13 =	simm.s32 $0x180;
	[tilespmem:s18+$0x0] =	vst v8;
	v5 =	vld.idx.msk [tilespmem:v14+s25+$0x0], $0xffff  }
.LBB2_11:
0x122: {  	v6 =	vld [tilespmem:s13+$0x70];
	s12 =	sadd.s32 $0x10, s12;
	[tilespmem:s18+$0x10] =	vst v0  }
0x123: {  	v0 =	vld [tilespmem:s13+$0xFFFFFF90];
	p3 =	slt.u32 s12, $0xF0;
	[tilespmem:s18+$0x20] =	vst v1  }
0x124: {  	v1 =	vld [tilespmem:s13+$0xFFFFFFA0];
	[tilespmem:s18+$0x30] =	vst v2  }
0x125: {  	v2 =	vld [tilespmem:s13+$0xFFFFFFB0];
	[tilespmem:s18+$0x40] =	vst v3  }
0x126: {  	v3 =	vld [tilespmem:s13+$0xFFFFFFC0];
	[tilespmem:s18+$0x50] =	vst v4  }
0x127: {  	v4 =	vld [tilespmem:s13+$0xFFFFFFD0];
	[tilespmem:s18+$0x60] =	vst v5  }
0x128: {  	v5 =	vld [tilespmem:s13+$0xFFFFFFE0]  }
0x129: {  	v7 =	vld [tilespmem:s13+$0xFFFFFFF0]  }
0x12a: {  	v6 =	vld.idx.msk [tilespmem:v6+s25+$0x0], $0xffff  }
0x12b: {  	v8 =	vld [tilespmem:s13+$0x0]  }
0x12c: {  	v9 =	vld [tilespmem:s13+$0x10]  }
0x12d: {  	v10 =	vld [tilespmem:s13+$0x20]  }
0x12e: {  	v11 =	vld [tilespmem:s13+$0x30]  }
0x12f: {  	s18 =	sadd.s32 $0x100, s18;
	v12 =	vld [tilespmem:s13+$0x40]  }
0x130: {  	v13 =	vld [tilespmem:s13+$0x50];
	[tilespmem:s18+$0x70] =	vst v6  }
0x131: {  	v6 =	vld [tilespmem:s13+$0x60]  }
0x132: {  	v14 =	vld [tilespmem:s13+$0xFFFFFF80]  }
0x133: {  	v0 =	vld.idx.msk [tilespmem:v0+s25+$0x0], $0xffff  }
0x134: {  	v1 =	vld.idx.msk [tilespmem:v1+s25+$0x0], $0xffff  }
0x135: {  	v2 =	vld.idx.msk [tilespmem:v2+s25+$0x0], $0xffff  }
0x136: {  	v3 =	vld.idx.msk [tilespmem:v3+s25+$0x0], $0xffff  }
0x137: {  	v4 =	vld.idx.msk [tilespmem:v4+s25+$0x0], $0xffff  }
0x138: {  	v5 =	vld.idx.msk [tilespmem:v5+s25+$0x0], $0xffff  }
0x139: {  	[tilespmem:s18+$0xFFFFFF90] =	vst v0;
	v7 =	vld.idx.msk [tilespmem:v7+s25+$0x0], $0xffff  }
0x13a: {  	v14 =	vld.idx.msk [tilespmem:v14+s25+$0x0], $0xffff;
	[tilespmem:s18+$0xFFFFFFA0] =	vst v1  }
0x13b: {  	[tilespmem:s18+$0xFFFFFFB0] =	vst v2;
	v8 =	vld.idx.msk [tilespmem:v8+s25+$0x0], $0xffff  }
0x13c: {  	[tilespmem:s18+$0xFFFFFFC0] =	vst v3;
	v0 =	vld.idx.msk [tilespmem:v9+s25+$0x0], $0xffff  }
.Ltmp7:
0x13d: {  	[tilespmem:s18+$0xFFFFFFD0] =	vst v4;
	v1 =	vld.idx.msk [tilespmem:v10+s25+$0x0], $0xffff;
	(pc) =	sbr.rel @p3 .LBB2_11-.Ltmp7, $4  }
0x13e: {  	[tilespmem:s18+$0xFFFFFFE0] =	vst v5;
	v2 =	vld.idx.msk [tilespmem:v11+s25+$0x0], $0xffff  }
0x13f: {  	[tilespmem:s18+$0xFFFFFFF0] =	vst v7;
	v3 =	vld.idx.msk [tilespmem:v12+s25+$0x0], $0xffff  }
0x140: {  	[tilespmem:s18+$0xFFFFFF80] =	vst v14;
	v4 =	vld.idx.msk [tilespmem:v13+s25+$0x0], $0xffff  }
0x141: {  	s13 =	sadd.s32 $0x100, s13;
	[tilespmem:s18+$0x0] =	vst v8;
	v5 =	vld.idx.msk [tilespmem:v6+s25+$0x0], $0xffff  }
0x142: {  	[tilespmem:s18+$0x10] =	vst v0  }
0x143: {  	[tilespmem:s18+$0x20] =	vst v1  }
.Ltmp8:
0x144: {  	[tilespmem:s18+$0x30] =	vst v2;
	(pc) =	sbr.rel @p2 .LBB2_14-.Ltmp8, $4  }
0x145: {  	[tilespmem:s18+$0x40] =	vst v3  }
0x146: {  	s17 =	sadd.s32 s17, s3;
	[tilespmem:s18+$0x50] =	vst v4  }
0x147: {  	s0 =	sadd.s32 $0x10, s17;
	[tilespmem:s18+$0x60] =	vst v5  }
0x148: {  	[hbm4b:s0+s21] =	stream.strided.scatter [tilespmem:s11], [sflag:$0x6], $0x1000, s22, s21, $0x38;
	[tilespmem:$0x16800] =	vst v63  }
.Ltmp9:
0x149: {  	(pc) =	sbr.rel .LBB2_15-.Ltmp9, $4  }
0x14a: {  	_ = 	snop  }
0x14b: {  	_ =	swait.ge [sflag:s30], $0x4000  }
0x14c: {  	[sflag:s30] =	ssyncset.done $0x0  }
0x14d: {  	[sflag:s30] =	ssyncadd.s32 $0xFFFFC000  }
.LBB2_14:
0x14e: {  	s0 =	sadd.s32 $0x5, s16  }
0x14f: {  	s1 =	sshrl.u32 s0, $0x3  }
0x150: {  	s0 =	sshll.u32 s0, $0x7;
	s1 =	sadd.s32 s7, s1  }
0x151: {  	s0 =	sand.u32 $0x280, s0;
	s1 =	sshll.u32 s1, $0x11  }
0x152: {  	s0 =	sor.u32 s0, s1  }
0x153: {  	s0 =	sshrl.u32 s0, $0x3  }
.Ltmp10:
0x154: {  	s0 =	sadd.s32 s2, s0;
	(pc) =	sbr.rel @p1 .LBB2_16-.Ltmp10, $4  }
0x155: {  	[tilespmem:s25], [sflag:$0x2] =	stream.strided.gather [hbm4b:s0+s21], $0x4000, s22, s21, $0x38;
	[tilespmem:$0x16800] =	vst v63  }
0x156: {  	_ =	swait.ge [sflag:s30], $0x4000  }
0x157: {  	[sflag:s30] =	ssyncset.done $0x0  }
0x158: {  	[sflag:s30] =	ssyncadd.s32 $0xFFFFC000  }
.LBB2_15:
0x159: {  	_ =	swait.ge [sflag:s14], $0x1000  }
0x15a: {  	[sflag:s14] =	ssyncset.done $0x0  }
0x15b: {  	[sflag:s14] =	ssyncadd.s32 $0xFFFFF000  }
.LBB2_16:
0x15c: {  	s0 =	simm.s32 $0x80  }
0x15d: {  	v0 =	vld [tilespmem:s0+$0x70]  }
0x15e: {  	v1 =	vld [tilespmem:s0+$0xFFFFFF90]  }
0x15f: {  	v2 =	vld [tilespmem:s0+$0xFFFFFFA0]  }
0x160: {  	v3 =	vld [tilespmem:s0+$0xFFFFFFB0]  }
0x161: {  	v4 =	vld [tilespmem:s0+$0xFFFFFFC0]  }
0x162: {  	v5 =	vld [tilespmem:s0+$0xFFFFFFD0]  }
0x163: {  	v6 =	vld [tilespmem:s0+$0xFFFFFFE0]  }
0x164: {  	v7 =	vld [tilespmem:s0+$0xFFFFFFF0]  }
0x165: {  	v8 =	vld [tilespmem:s0+$0x0]  }
0x166: {  	v9 =	vld [tilespmem:s0+$0x10]  }
0x167: {  	v10 =	vld [tilespmem:s0+$0x20]  }
0x168: {  	v11 =	vld [tilespmem:s0+$0x30]  }
0x169: {  	v12 =	vld [tilespmem:s0+$0x40]  }
0x16a: {  	v13 =	vld [tilespmem:s0+$0x50]  }
0x16b: {  	v14 =	vld [tilespmem:s0+$0x60]  }
0x16c: {  	v15 =	vld [tilespmem:s0+$0xFFFFFF80]  }
0x16d: {  	v0 =	vld.idx.msk [tilespmem:v0+s26+$0x0], $0xffff  }
0x16e: {  	v1 =	vld.idx.msk [tilespmem:v1+s26+$0x0], $0xffff  }
0x16f: {  	v2 =	vld.idx.msk [tilespmem:v2+s26+$0x0], $0xffff  }
0x170: {  	v3 =	vld.idx.msk [tilespmem:v3+s26+$0x0], $0xffff  }
0x171: {  	v4 =	vld.idx.msk [tilespmem:v4+s26+$0x0], $0xffff  }
0x172: {  	s18 =	simm.s32 $0x14880;
	v5 =	vld.idx.msk [tilespmem:v5+s26+$0x0], $0xffff  }
0x173: {  	v6 =	vld.idx.msk [tilespmem:v6+s26+$0x0], $0xffff;
	[tilespmem:s18+$0x70] =	vst v0  }
0x174: {  	v7 =	vld.idx.msk [tilespmem:v7+s26+$0x0], $0xffff;
	[tilespmem:s18+$0xFFFFFF90] =	vst v1  }
0x175: {  	v15 =	vld.idx.msk [tilespmem:v15+s26+$0x0], $0xffff;
	[tilespmem:s18+$0xFFFFFFA0] =	vst v2  }
0x176: {  	v8 =	vld.idx.msk [tilespmem:v8+s26+$0x0], $0xffff;
	[tilespmem:s18+$0xFFFFFFB0] =	vst v3  }
0x177: {  	[tilespmem:s18+$0xFFFFFFC0] =	vst v4;
	v0 =	vld.idx.msk [tilespmem:v9+s26+$0x0], $0xffff  }
0x178: {  	[tilespmem:s18+$0xFFFFFFD0] =	vst v5;
	v1 =	vld.idx.msk [tilespmem:v10+s26+$0x0], $0xffff  }
0x179: {  	[tilespmem:s18+$0xFFFFFFE0] =	vst v6;
	v2 =	vld.idx.msk [tilespmem:v11+s26+$0x0], $0xffff  }
0x17a: {  	[tilespmem:s18+$0xFFFFFFF0] =	vst v7;
	v3 =	vld.idx.msk [tilespmem:v12+s26+$0x0], $0xffff  }
0x17b: {  	[tilespmem:s18+$0xFFFFFF80] =	vst v15;
	v4 =	vld.idx.msk [tilespmem:v13+s26+$0x0], $0xffff  }
0x17c: {  	s12 =	simm.s32 $0x0;
	s13 =	simm.s32 $0x180;
	[tilespmem:s18+$0x0] =	vst v8;
	v5 =	vld.idx.msk [tilespmem:v14+s26+$0x0], $0xffff  }
.LBB2_17:
0x17d: {  	v6 =	vld [tilespmem:s13+$0x70];
	s12 =	sadd.s32 $0x10, s12;
	[tilespmem:s18+$0x10] =	vst v0  }
0x17e: {  	v0 =	vld [tilespmem:s13+$0xFFFFFF90];
	p3 =	slt.u32 s12, $0xF0;
	[tilespmem:s18+$0x20] =	vst v1  }
0x17f: {  	v1 =	vld [tilespmem:s13+$0xFFFFFFA0];
	[tilespmem:s18+$0x30] =	vst v2  }
0x180: {  	v2 =	vld [tilespmem:s13+$0xFFFFFFB0];
	[tilespmem:s18+$0x40] =	vst v3  }
0x181: {  	v3 =	vld [tilespmem:s13+$0xFFFFFFC0];
	[tilespmem:s18+$0x50] =	vst v4  }
0x182: {  	v4 =	vld [tilespmem:s13+$0xFFFFFFD0];
	[tilespmem:s18+$0x60] =	vst v5  }
0x183: {  	v5 =	vld [tilespmem:s13+$0xFFFFFFE0]  }
0x184: {  	v7 =	vld [tilespmem:s13+$0xFFFFFFF0]  }
0x185: {  	v6 =	vld.idx.msk [tilespmem:v6+s26+$0x0], $0xffff  }
0x186: {  	v8 =	vld [tilespmem:s13+$0x0]  }
0x187: {  	v9 =	vld [tilespmem:s13+$0x10]  }
0x188: {  	v10 =	vld [tilespmem:s13+$0x20]  }
0x189: {  	v11 =	vld [tilespmem:s13+$0x30]  }
0x18a: {  	s18 =	sadd.s32 $0x100, s18;
	v12 =	vld [tilespmem:s13+$0x40]  }
0x18b: {  	v13 =	vld [tilespmem:s13+$0x50];
	[tilespmem:s18+$0x70] =	vst v6  }
0x18c: {  	v6 =	vld [tilespmem:s13+$0x60]  }
0x18d: {  	v14 =	vld [tilespmem:s13+$0xFFFFFF80]  }
0x18e: {  	v0 =	vld.idx.msk [tilespmem:v0+s26+$0x0], $0xffff  }
0x18f: {  	v1 =	vld.idx.msk [tilespmem:v1+s26+$0x0], $0xffff  }
0x190: {  	v2 =	vld.idx.msk [tilespmem:v2+s26+$0x0], $0xffff  }
0x191: {  	v3 =	vld.idx.msk [tilespmem:v3+s26+$0x0], $0xffff  }
0x192: {  	v4 =	vld.idx.msk [tilespmem:v4+s26+$0x0], $0xffff  }
0x193: {  	v5 =	vld.idx.msk [tilespmem:v5+s26+$0x0], $0xffff  }
0x194: {  	[tilespmem:s18+$0xFFFFFF90] =	vst v0;
	v7 =	vld.idx.msk [tilespmem:v7+s26+$0x0], $0xffff  }
0x195: {  	v14 =	vld.idx.msk [tilespmem:v14+s26+$0x0], $0xffff;
	[tilespmem:s18+$0xFFFFFFA0] =	vst v1  }
0x196: {  	[tilespmem:s18+$0xFFFFFFB0] =	vst v2;
	v8 =	vld.idx.msk [tilespmem:v8+s26+$0x0], $0xffff  }
0x197: {  	[tilespmem:s18+$0xFFFFFFC0] =	vst v3;
	v0 =	vld.idx.msk [tilespmem:v9+s26+$0x0], $0xffff  }
.Ltmp11:
0x198: {  	[tilespmem:s18+$0xFFFFFFD0] =	vst v4;
	v1 =	vld.idx.msk [tilespmem:v10+s26+$0x0], $0xffff;
	(pc) =	sbr.rel @p3 .LBB2_17-.Ltmp11, $4  }
0x199: {  	[tilespmem:s18+$0xFFFFFFE0] =	vst v5;
	v2 =	vld.idx.msk [tilespmem:v11+s26+$0x0], $0xffff  }
0x19a: {  	[tilespmem:s18+$0xFFFFFFF0] =	vst v7;
	v3 =	vld.idx.msk [tilespmem:v12+s26+$0x0], $0xffff  }
0x19b: {  	[tilespmem:s18+$0xFFFFFF80] =	vst v14;
	v4 =	vld.idx.msk [tilespmem:v13+s26+$0x0], $0xffff  }
0x19c: {  	s13 =	sadd.s32 $0x100, s13;
	[tilespmem:s18+$0x0] =	vst v8;
	v5 =	vld.idx.msk [tilespmem:v6+s26+$0x0], $0xffff  }
0x19d: {  	[tilespmem:s18+$0x10] =	vst v0  }
0x19e: {  	[tilespmem:s18+$0x20] =	vst v1  }
.Ltmp12:
0x19f: {  	[tilespmem:s18+$0x30] =	vst v2;
	(pc) =	sbr.rel @p2 .LBB2_20-.Ltmp12, $4  }
0x1a0: {  	[tilespmem:s18+$0x40] =	vst v3  }
0x1a1: {  	[tilespmem:s18+$0x50] =	vst v4  }
0x1a2: {  	s0 =	sadd.s32 $0x20, s17;
	[tilespmem:s18+$0x60] =	vst v5  }
0x1a3: {  	[hbm4b:s0+s21] =	stream.strided.scatter [tilespmem:s19], [sflag:$0x7], $0x1000, s22, s21, $0x38;
	[tilespmem:$0x16800] =	vst v63  }
.Ltmp13:
0x1a4: {  	(pc) =	sbr.rel .LBB2_21-.Ltmp13, $4  }
0x1a5: {  	_ = 	snop  }
0x1a6: {  	_ =	swait.ge [sflag:s9], $0x4000  }
0x1a7: {  	[sflag:s9] =	ssyncset.done $0x0  }
0x1a8: {  	[sflag:s9] =	ssyncadd.s32 $0xFFFFC000  }
.LBB2_20:
0x1a9: {  	s0 =	sadd.s32 $0x6, s16  }
0x1aa: {  	s1 =	sshrl.u32 s0, $0x3  }
0x1ab: {  	s0 =	sshll.u32 s0, $0x7;
	s1 =	sadd.s32 s7, s1  }
0x1ac: {  	s0 =	sand.u32 $0x300, s0;
	s1 =	sshll.u32 s1, $0x11  }
0x1ad: {  	s0 =	sor.u32 s0, s1  }
0x1ae: {  	s0 =	sshrl.u32 s0, $0x3  }
.Ltmp14:
0x1af: {  	s0 =	sadd.s32 s2, s0;
	(pc) =	sbr.rel @p1 .LBB2_22-.Ltmp14, $4  }
0x1b0: {  	[tilespmem:s26], [sflag:$0x3] =	stream.strided.gather [hbm4b:s0+s21], $0x4000, s22, s21, $0x38;
	[tilespmem:$0x16800] =	vst v63  }
0x1b1: {  	_ =	swait.ge [sflag:s9], $0x4000  }
0x1b2: {  	[sflag:s9] =	ssyncset.done $0x0  }
0x1b3: {  	[sflag:s9] =	ssyncadd.s32 $0xFFFFC000  }
.LBB2_21:
0x1b4: {  	_ =	swait.ge [sflag:s20], $0x1000  }
0x1b5: {  	[sflag:s20] =	ssyncset.done $0x0  }
0x1b6: {  	[sflag:s20] =	ssyncadd.s32 $0xFFFFF000  }
.LBB2_22:
0x1b7: {  	s0 =	simm.s32 $0x80  }
0x1b8: {  	v0 =	vld [tilespmem:s0+$0x70]  }
0x1b9: {  	v1 =	vld [tilespmem:s0+$0xFFFFFF90]  }
0x1ba: {  	v2 =	vld [tilespmem:s0+$0xFFFFFFA0]  }
0x1bb: {  	v3 =	vld [tilespmem:s0+$0xFFFFFFB0]  }
0x1bc: {  	v4 =	vld [tilespmem:s0+$0xFFFFFFC0]  }
0x1bd: {  	v5 =	vld [tilespmem:s0+$0xFFFFFFD0]  }
0x1be: {  	v6 =	vld [tilespmem:s0+$0xFFFFFFE0]  }
0x1bf: {  	v7 =	vld [tilespmem:s0+$0xFFFFFFF0]  }
0x1c0: {  	v8 =	vld [tilespmem:s0+$0x0]  }
0x1c1: {  	v9 =	vld [tilespmem:s0+$0x10]  }
0x1c2: {  	v10 =	vld [tilespmem:s0+$0x20]  }
0x1c3: {  	v11 =	vld [tilespmem:s0+$0x30]  }
0x1c4: {  	v12 =	vld [tilespmem:s0+$0x40]  }
0x1c5: {  	v13 =	vld [tilespmem:s0+$0x50]  }
0x1c6: {  	v14 =	vld [tilespmem:s0+$0x60]  }
0x1c7: {  	v15 =	vld [tilespmem:s0+$0xFFFFFF80]  }
0x1c8: {  	v0 =	vld.idx.msk [tilespmem:v0+s28+$0x0], $0xffff  }
0x1c9: {  	v1 =	vld.idx.msk [tilespmem:v1+s28+$0x0], $0xffff  }
0x1ca: {  	v2 =	vld.idx.msk [tilespmem:v2+s28+$0x0], $0xffff  }
0x1cb: {  	v3 =	vld.idx.msk [tilespmem:v3+s28+$0x0], $0xffff  }
0x1cc: {  	v4 =	vld.idx.msk [tilespmem:v4+s28+$0x0], $0xffff  }
0x1cd: {  	s18 =	simm.s32 $0x15880;
	v5 =	vld.idx.msk [tilespmem:v5+s28+$0x0], $0xffff  }
0x1ce: {  	v6 =	vld.idx.msk [tilespmem:v6+s28+$0x0], $0xffff;
	[tilespmem:s18+$0x70] =	vst v0  }
0x1cf: {  	v7 =	vld.idx.msk [tilespmem:v7+s28+$0x0], $0xffff;
	[tilespmem:s18+$0xFFFFFF90] =	vst v1  }
0x1d0: {  	v15 =	vld.idx.msk [tilespmem:v15+s28+$0x0], $0xffff;
	[tilespmem:s18+$0xFFFFFFA0] =	vst v2  }
0x1d1: {  	v8 =	vld.idx.msk [tilespmem:v8+s28+$0x0], $0xffff;
	[tilespmem:s18+$0xFFFFFFB0] =	vst v3  }
0x1d2: {  	[tilespmem:s18+$0xFFFFFFC0] =	vst v4;
	v0 =	vld.idx.msk [tilespmem:v9+s28+$0x0], $0xffff  }
0x1d3: {  	[tilespmem:s18+$0xFFFFFFD0] =	vst v5;
	v1 =	vld.idx.msk [tilespmem:v10+s28+$0x0], $0xffff  }
0x1d4: {  	[tilespmem:s18+$0xFFFFFFE0] =	vst v6;
	v2 =	vld.idx.msk [tilespmem:v11+s28+$0x0], $0xffff  }
0x1d5: {  	[tilespmem:s18+$0xFFFFFFF0] =	vst v7;
	v3 =	vld.idx.msk [tilespmem:v12+s28+$0x0], $0xffff  }
0x1d6: {  	[tilespmem:s18+$0xFFFFFF80] =	vst v15;
	v4 =	vld.idx.msk [tilespmem:v13+s28+$0x0], $0xffff  }
0x1d7: {  	s12 =	simm.s32 $0x0;
	s13 =	simm.s32 $0x180;
	[tilespmem:s18+$0x0] =	vst v8;
	v5 =	vld.idx.msk [tilespmem:v14+s28+$0x0], $0xffff  }
.LBB2_23:
0x1d8: {  	v6 =	vld [tilespmem:s13+$0x70];
	s12 =	sadd.s32 $0x10, s12;
	[tilespmem:s18+$0x10] =	vst v0  }
0x1d9: {  	v0 =	vld [tilespmem:s13+$0xFFFFFF90];
	p1 =	slt.u32 s12, $0xF0;
	[tilespmem:s18+$0x20] =	vst v1  }
0x1da: {  	v1 =	vld [tilespmem:s13+$0xFFFFFFA0];
	[tilespmem:s18+$0x30] =	vst v2  }
0x1db: {  	v2 =	vld [tilespmem:s13+$0xFFFFFFB0];
	[tilespmem:s18+$0x40] =	vst v3  }
0x1dc: {  	v3 =	vld [tilespmem:s13+$0xFFFFFFC0];
	[tilespmem:s18+$0x50] =	vst v4  }
0x1dd: {  	v4 =	vld [tilespmem:s13+$0xFFFFFFD0];
	[tilespmem:s18+$0x60] =	vst v5  }
0x1de: {  	v5 =	vld [tilespmem:s13+$0xFFFFFFE0]  }
0x1df: {  	v7 =	vld [tilespmem:s13+$0xFFFFFFF0]  }
0x1e0: {  	v6 =	vld.idx.msk [tilespmem:v6+s28+$0x0], $0xffff  }
0x1e1: {  	v8 =	vld [tilespmem:s13+$0x0]  }
0x1e2: {  	v9 =	vld [tilespmem:s13+$0x10]  }
0x1e3: {  	v10 =	vld [tilespmem:s13+$0x20]  }
0x1e4: {  	v11 =	vld [tilespmem:s13+$0x30]  }
0x1e5: {  	s18 =	sadd.s32 $0x100, s18;
	v12 =	vld [tilespmem:s13+$0x40]  }
0x1e6: {  	v13 =	vld [tilespmem:s13+$0x50];
	[tilespmem:s18+$0x70] =	vst v6  }
0x1e7: {  	v6 =	vld [tilespmem:s13+$0x60]  }
0x1e8: {  	v14 =	vld [tilespmem:s13+$0xFFFFFF80]  }
0x1e9: {  	v0 =	vld.idx.msk [tilespmem:v0+s28+$0x0], $0xffff  }
0x1ea: {  	v1 =	vld.idx.msk [tilespmem:v1+s28+$0x0], $0xffff  }
0x1eb: {  	v2 =	vld.idx.msk [tilespmem:v2+s28+$0x0], $0xffff  }
0x1ec: {  	v3 =	vld.idx.msk [tilespmem:v3+s28+$0x0], $0xffff  }
0x1ed: {  	v4 =	vld.idx.msk [tilespmem:v4+s28+$0x0], $0xffff  }
0x1ee: {  	v5 =	vld.idx.msk [tilespmem:v5+s28+$0x0], $0xffff  }
0x1ef: {  	[tilespmem:s18+$0xFFFFFF90] =	vst v0;
	v7 =	vld.idx.msk [tilespmem:v7+s28+$0x0], $0xffff  }
0x1f0: {  	v14 =	vld.idx.msk [tilespmem:v14+s28+$0x0], $0xffff;
	[tilespmem:s18+$0xFFFFFFA0] =	vst v1  }
0x1f1: {  	[tilespmem:s18+$0xFFFFFFB0] =	vst v2;
	v8 =	vld.idx.msk [tilespmem:v8+s28+$0x0], $0xffff  }
0x1f2: {  	[tilespmem:s18+$0xFFFFFFC0] =	vst v3;
	v0 =	vld.idx.msk [tilespmem:v9+s28+$0x0], $0xffff  }
.Ltmp15:
0x1f3: {  	[tilespmem:s18+$0xFFFFFFD0] =	vst v4;
	v1 =	vld.idx.msk [tilespmem:v10+s28+$0x0], $0xffff;
	(pc) =	sbr.rel @p1 .LBB2_23-.Ltmp15, $4  }
0x1f4: {  	[tilespmem:s18+$0xFFFFFFE0] =	vst v5;
	v2 =	vld.idx.msk [tilespmem:v11+s28+$0x0], $0xffff  }
0x1f5: {  	[tilespmem:s18+$0xFFFFFFF0] =	vst v7;
	v3 =	vld.idx.msk [tilespmem:v12+s28+$0x0], $0xffff  }
0x1f6: {  	[tilespmem:s18+$0xFFFFFF80] =	vst v14;
	v4 =	vld.idx.msk [tilespmem:v13+s28+$0x0], $0xffff  }
0x1f7: {  	s13 =	sadd.s32 $0x100, s13;
	[tilespmem:s18+$0x0] =	vst v8;
	v5 =	vld.idx.msk [tilespmem:v6+s28+$0x0], $0xffff  }
0x1f8: {  	[tilespmem:s18+$0x10] =	vst v0  }
0x1f9: {  	[tilespmem:s18+$0x20] =	vst v1;
	p1 =	seq.s32 s15, $0x1F  }
.Ltmp16:
0x1fa: {  	[tilespmem:s18+$0x30] =	vst v2;
	(pc) =	sbr.rel @p1 .LBB2_26-.Ltmp16, $4  }
0x1fb: {  	[tilespmem:s18+$0x40] =	vst v3  }
0x1fc: {  	[tilespmem:s18+$0x50] =	vst v4  }
0x1fd: {  	s0 =	sadd.s32 $0x30, s17;
	[tilespmem:s18+$0x60] =	vst v5  }
0x1fe: {  	[hbm4b:s0+s21] =	stream.strided.scatter [tilespmem:s23], [sflag:$0x8], $0x1000, s22, s21, $0x38;
	[tilespmem:$0x16800] =	vst v63  }
0x1ff: {  	s0 =	sadd.s32 $0x7, s16  }
0x200: {  	s1 =	sshrl.u32 s0, $0x3  }
0x201: {  	s0 =	sshll.u32 s0, $0x7;
	s1 =	sadd.s32 s7, s1  }
.Ltmp17:
0x202: {  	s0 =	sand.u32 $0x380, s0;
	s1 =	sshll.u32 s1, $0x11;
	(pc) =	sbr.rel .LBB2_4-.Ltmp17, $4  }
0x203: {  	s0 =	sor.u32 s0, s1  }
0x204: {  	s0 =	sshrl.u32 s0, $0x3  }
0x205: {  	s15 =	sadd.s32 $0x1, s15;
	s0 =	sadd.s32 s2, s0  }
0x206: {  	[tilespmem:s28], [sflag:$0x4] =	stream.strided.gather [hbm4b:s0+s21], $0x4000, s22, s21, $0x38;
	[tilespmem:$0x16800] =	vst v63  }
.LBB2_27:
0x207: {  	_ =	sfence.sel $0x180000  }
0x208: {  	[bflag:$0x0] =	sbarrier.arrive $0xFFFF  }
0x209: {  	_ =	strace $0x90000047  }
0x20a: {  	s0 =	stileid.u32;
	[bflag:$0x2] =	sbarrier.arrive $0xFFFF  }
0x20b: {  	p0 =	sne.s32 s0, $0x0;
	s0 =	rddreg [dreg:$0x6]  }
0x20c: {  	s0 =	sadd.s32 @!p0 $0x100000, s0  }
0x20d: {  	[sflag:s0] =	ssyncadd.tile.s32 @!p0 $0x1;
	_ =	shalt  }
.Lfunc_end2:
_tile_overlayer_lowered:
.L_overlay_start_2:
0x20e: {  	(tag) =	ssettag $0x2  }
0x20f: {  	s0 =	rddreg [dreg:$0x0];
	s2 =	stileid.u32  }
0x210: {  	s1 =	rddreg [dreg:$0x1];
	p0 =	sne.s32 s2, $0x0  }
0x211: {  	s3 =	rddreg [dreg:$0x2];
	[bflag:$0x3] =	sbarrier.arrive $0xFFFF;
	s2 =	simm.s32 @!p0 $0x1C09  }
0x212: {  	[timem:s3], [sflag:s2] =	dma.local @!p0 [hbm:s0], s1  }
0x213: {  	s0 =	simm.s32 @!p0 $0x9  }
0x214: {  	_ =	swait.ge @!p0 [sflag:s0], s1  }
0x215: {  	s1 =	ssub.s32 @!p0 $0x0, s1;
	[sflag:s0] =	ssyncset.done @!p0 $0x0  }
0x216: {  	[sflag:s0] =	ssyncadd.s32 @!p0 s1  }
0x217: {  	[bflag:$0x3] =	sbarrier.arrive $0xFFFF  }
0x218: {  	_ =	shalt  }

</sc_bundles>
